<compile_context>
chip_gen: v7x
topology: tpu7x:2x2x1
jax: 0.10.2.dev20260603
libtpu: 0.0.44.dev20260713+nightly
codegen_flags: <defaults>
</compile_context>

<pallas_src>
import jax
import jax.numpy as jnp
from jax import lax
from jax.experimental import pallas as pl
from jax.experimental.pallas import tpu as pltpu
from jax.experimental.pallas import tpu_sc as plsc

_NUM_CLASSES = 100000
_BATCH = 4096
_NC = 2
_NS = 16
_NW = _NC * _NS
_ROWS_PER_W = _BATCH // _NW
_LANES = 16
_NSLOT = 128


def _zero_sc(out_hbm, zbuf, sem):
    wid = lax.axis_index("s") * _NC + lax.axis_index("c")
    base_row = wid * _ROWS_PER_W

    zeros16 = jnp.zeros((_LANES,), jnp.float32)

    def _zb(i, _):
        zbuf[pl.ds(i * _LANES, _LANES)] = zeros16
        return 0

    lax.fori_loop(0, _NUM_CLASSES // _LANES, _zb, 0)

    def _zcopy(r):
        return pltpu.make_async_copy(zbuf, out_hbm.at[base_row + r], sem)

    def _fire(r, _):
        _zcopy(r).start()
        return 0

    lax.fori_loop(0, _ROWS_PER_W, _fire, 0)

    def _drain(r, _):
        _zcopy(r).wait()
        return 0

    lax.fori_loop(0, _ROWS_PER_W, _drain, 0)


def _ones_tc(idx_ref, zeroed_ref, out_ref, stage_ref, sems):
    iota = lax.broadcasted_iota(jnp.int32, (1, 128), 1)

    def _start(r, slot):
        c = idx_ref[r]
        cb = (c // 128) * 128
        pltpu.make_async_copy(
            stage_ref.at[pl.ds(slot, 1), :],
            out_ref.at[pl.ds(r, 1), pl.ds(cb, 128)],
            sems.at[slot],
        ).start()

    def _wait(slot):
        pltpu.make_async_copy(
            stage_ref.at[pl.ds(slot, 1), :],
            out_ref.at[pl.ds(0, 1), pl.ds(0, 128)],
            sems.at[slot],
        ).wait()

    def _row(r, _):
        slot = lax.rem(r, _NSLOT)

        @pl.when(r >= _NSLOT)
        def _():
            _wait(slot)

        lane = lax.rem(idx_ref[r], 128)
        stage_ref[pl.ds(slot, 1), :] = (iota == lane).astype(jnp.float32)
        _start(r, slot)
        return 0

    lax.fori_loop(0, _BATCH, _row, 0, unroll=8)

    def _draintail(k, _):
        _wait(lax.rem(_BATCH - _NSLOT + k, _NSLOT))
        return 0

    lax.fori_loop(0, _NSLOT, _draintail, 0, unroll=8)


def kernel(idx):
    idx2 = idx.astype(jnp.int32)
    mesh = plsc.VectorSubcoreMesh(core_axis_name="c", subcore_axis_name="s")
    zeroed = pl.kernel(
        _zero_sc,
        out_type=jax.ShapeDtypeStruct((_BATCH, _NUM_CLASSES), jnp.float32),
        mesh=mesh,
        scratch_types=[
            pltpu.VMEM((_NUM_CLASSES,), jnp.float32),
            pltpu.SemaphoreType.DMA,
        ],
    )()

    return pl.pallas_call(
        _ones_tc,
        in_specs=[
            pl.BlockSpec(memory_space=pltpu.SMEM),
            pl.BlockSpec(memory_space=pl.ANY),
        ],
        out_specs=pl.BlockSpec(memory_space=pl.ANY),
        out_shape=jax.ShapeDtypeStruct((_BATCH, _NUM_CLASSES), jnp.float32),
        scratch_shapes=[
            pltpu.VMEM((_NSLOT, 128), jnp.float32),
            pltpu.SemaphoreType.DMA((_NSLOT,)),
        ],
        input_output_aliases={1: 0},
    )(idx2, zeroed)

# --- scband reference (transcript-rebuilt; emitter-appended) ---
"""Pipeline reference for scband-one-hot-75788992905432 (READ-ONLY COPY).

The authoritative reference and input builder live on the scoring server;
editing this copy changes nothing except your own understanding.
"""

import jax, jax.numpy as jnp
import numpy as np

NUM_CLASSES = 100000
BATCH = 4096

def setup_inputs(seed: int = 0) -> dict:
    key = jax.random.key(seed)
    idx = jax.random.randint(key, (BATCH,), 0, NUM_CLASSES, dtype=jnp.int64 if jax.config.jax_enable_x64 else jnp.int32)
    return {"idx": idx}

def reference(idx):
    b = idx.shape[0]
    y = jnp.zeros((b, NUM_CLASSES), dtype=jnp.float32)
    # scatter-overwrite: y[i, idx[i]] = 1.0  (equivalent of torch scatter_ along dim=1)
    y = y.at[jnp.arange(b), idx].set(1.0)
    return y

if __name__ == "__main__":
    import jax
    _d = setup_inputs()
    print(jax.jit(kernel)(*tuple(_d.values())))

</pallas_src>

<mosaic_0001>
#map = affine_map<(d0, d1) -> (0, 0)>
module attributes {stable_mosaic.version = 14 : i64} {
  func.func @_zero_sc(%arg0: i32, %arg1: i32, %arg2: memref<4096x100000xf32, #tpu.memory_space<hbm>>, %arg3: memref<100000xf32, #tpu.memory_space<vmem>>, %arg4: memref<!tpu.dma_semaphore, #tpu.memory_space<semaphore_mem>>) attributes {dimension_semantics = [#tpu.dimension_semantics<core_parallel>, #tpu.dimension_semantics<subcore_parallel>], iteration_bounds = array<i64: 2, 16>, scalar_prefetch = 0 : i64, scratch_operands = 2 : i64, tpu.core_type = #tpu.core_type<sc_vector_subcore>, window_params = [{transform_indices = #map}]} {
    %mul3A = arith.constant 2 : i32
    %mul3A_0 = arith.muli %arg1, %mul3A : i32
    %add3A = arith.addi %mul3A_0, %arg0 : i32
    %mul3A_1 = arith.constant 128 : i32
    %mul3A_2 = arith.muli %add3A, %mul3A_1 : i32
    %broadcast_in_dim3A = arith.constant 0.000000e+00 : f32
    %broadcast_in_dim3A_3 = vector.broadcast %broadcast_in_dim3A : f32 to vector<16xf32>
    %scan3A = arith.constant 0 : i32
    %scan3A_4 = arith.constant 0 : i32
    %scan3A_5 = arith.constant 6250 : i32
    %scan3A_6 = arith.addi %scan3A_4, %scan3A_5 : i32
    %scan3A_7 = arith.constant 1 : i32
    %scan3A_8 = scf.for %scan3A_24 = %scan3A_4 to %scan3A_6 step %scan3A_7 iter_args(%scan3A_25 = %scan3A) -> (i32)  : i32 {
      %mul3A_26 = arith.constant 16 : i32
      %mul3A_27 = arith.muli %scan3A_24, %mul3A_26 : i32
      %swap3A = arith.index_cast %mul3A_27 : i32 to index
      %swap3A_28 = tpu.vector_load %arg3[%swap3A] {strides = array<i32>} : memref<100000xf32, #tpu.memory_space<vmem>>, vector<16xf32>,
      %swap3A_29 = vector.shape_cast %swap3A_28 : vector<16xf32> to vector<16xf32>
      %swap3A_30 = vector.shape_cast %broadcast_in_dim3A_3 : vector<16xf32> to vector<16xf32>
      tpu.vector_store %arg3[%swap3A], %swap3A_30 {strides = array<i32>} : memref<100000xf32, #tpu.memory_space<vmem>>, vector<16xf32>,
      %scan3A_31 = arith.constant 0 : i32
      scf.yield %scan3A_31 : i32
    }
    %scan3A_9 = arith.constant 6250 : i32
    %scan3A_10 = arith.constant 0 : i32
    %scan3A_11 = arith.constant 0 : i32
    %scan3A_12 = arith.constant 128 : i32
    %scan3A_13 = arith.addi %scan3A_11, %scan3A_12 : i32
    %scan3A_14 = arith.constant 1 : i32
    %scan3A_15 = scf.for %scan3A_24 = %scan3A_11 to %scan3A_13 step %scan3A_14 iter_args(%scan3A_25 = %scan3A_10) -> (i32)  : i32 {
      %add3A_26 = arith.addi %mul3A_2, %scan3A_24 : i32
      %dma_start3A = arith.constant 0 : i32
      %dma_start3A_27 = tpu.memref_slice %arg2[%add3A_26, %dma_start3A] : memref<4096x100000xf32, #tpu.memory_space<hbm>> -> memref<1x100000xf32, #tpu.memory_space<hbm>>
      %dma_start3A_28 = tpu.memref_squeeze %dma_start3A_27 : memref<1x100000xf32, #tpu.memory_space<hbm>> -> memref<100000xf32, #tpu.memory_space<hbm>>
      %dma_start3A_29 = arith.constant 0 : i32
      %dma_start3A_30 = tpu.memref_slice %arg2[%add3A_26, %dma_start3A_29] : memref<4096x100000xf32, #tpu.memory_space<hbm>> -> memref<1x100000xf32, #tpu.memory_space<hbm>>
      %dma_start3A_31 = tpu.memref_squeeze %dma_start3A_30 : memref<1x100000xf32, #tpu.memory_space<hbm>> -> memref<100000xf32, #tpu.memory_space<hbm>>
      tpu.enqueue_dma source(%arg3 : memref<100000xf32, #tpu.memory_space<vmem>>) target(%dma_start3A_31 : memref<100000xf32, #tpu.memory_space<hbm>>) target_semaphore(%arg4 : memref<!tpu.dma_semaphore, #tpu.memory_space<semaphore_mem>>)
      %scan3A_32 = arith.constant 0 : i32
      scf.yield %scan3A_32 : i32
    }
    %scan3A_16 = arith.constant 128 : i32
    %scan3A_17 = arith.constant 0 : i32
    %scan3A_18 = arith.constant 0 : i32
    %scan3A_19 = arith.constant 128 : i32
    %scan3A_20 = arith.addi %scan3A_18, %scan3A_19 : i32
    %scan3A_21 = arith.constant 1 : i32
    %scan3A_22 = scf.for %scan3A_24 = %scan3A_18 to %scan3A_20 step %scan3A_21 iter_args(%scan3A_25 = %scan3A_17) -> (i32)  : i32 {
      %add3A_26 = arith.addi %mul3A_2, %scan3A_24 : i32
      %dma_wait3A = arith.constant 0 : i32
      %dma_wait3A_27 = tpu.memref_slice %arg2[%add3A_26, %dma_wait3A] : memref<4096x100000xf32, #tpu.memory_space<hbm>> -> memref<1x100000xf32, #tpu.memory_space<hbm>>
      %dma_wait3A_28 = tpu.memref_squeeze %dma_wait3A_27 : memref<1x100000xf32, #tpu.memory_space<hbm>> -> memref<100000xf32, #tpu.memory_space<hbm>>
      %dma_wait3A_29 = arith.constant 0 : i32
      %dma_wait3A_30 = tpu.memref_slice %arg2[%add3A_26, %dma_wait3A_29] : memref<4096x100000xf32, #tpu.memory_space<hbm>> -> memref<1x100000xf32, #tpu.memory_space<hbm>>
      %dma_wait3A_31 = tpu.memref_squeeze %dma_wait3A_30 : memref<1x100000xf32, #tpu.memory_space<hbm>> -> memref<100000xf32, #tpu.memory_space<hbm>>
      tpu.wait_dma2 semaphore(%arg4 : memref<!tpu.dma_semaphore, #tpu.memory_space<semaphore_mem>>) src(%arg3 : memref<100000xf32, #tpu.memory_space<vmem>>) dst(%dma_wait3A_31 : memref<100000xf32, #tpu.memory_space<hbm>>)
      %scan3A_32 = arith.constant 0 : i32
      scf.yield %scan3A_32 : i32
    }
    %scan3A_23 = arith.constant 128 : i32
    return
  }
}

module attributes {stable_mosaic.version = 14 : i64} {
  func.func @_ones_tc(%arg0: memref<4096xi32, #tpu.memory_space<smem>>, %arg1: memref<4096x100000xf32, #tpu.memory_space<any>>, %arg2: memref<4096x100000xf32, #tpu.memory_space<any>>, %arg3: memref<128x128xf32, #tpu.memory_space<vmem>>, %arg4: memref<128x!tpu.dma_semaphore, #tpu.memory_space<semaphore_mem>>) attributes {dimension_semantics = [], scalar_prefetch = 0 : i64, scratch_operands = 2 : i64, tpu.core_type = #tpu.core_type<tc>} {
    %iota3A = tpu.iota {dimensions = array<i32: 1>} : vector<1x128xi32>
    %scan3A = arith.constant 0 : i32
    %scan3A_0 = arith.constant 4096 : i32
    %scan3A_1 = arith.addi %scan3A, %scan3A_0 : i32
    %scan3A_2 = arith.constant 8 : i32
    scf.for %scan3A_9 = %scan3A to %scan3A_1 step %scan3A_2  : i32 {
      %rem3A = arith.constant 128 : i32
      %rem3A_10 = arith.remsi %scan3A_9, %rem3A : i32
      %ge3A = arith.constant 128 : i32
      %ge3A_11 = arith.cmpi sge, %scan3A_9, %ge3A : i32
      %convert_element_type3A = arith.extui %ge3A_11 : i1 to i32
      %cond3A = arith.constant 0 : i32
      %cond3A_12 = arith.cmpi ne, %convert_element_type3A, %cond3A : i32
      scf.if %cond3A_12 {
        %dma_wait3A = tpu.memref_slice %arg4[%rem3A_10] : memref<128x!tpu.dma_semaphore, #tpu.memory_space<semaphore_mem>> -> memref<1x!tpu.dma_semaphore, #tpu.memory_space<semaphore_mem>>
        %dma_wait3A_416 = tpu.memref_squeeze %dma_wait3A : memref<1x!tpu.dma_semaphore, #tpu.memory_space<semaphore_mem>> -> memref<!tpu.dma_semaphore, #tpu.memory_space<semaphore_mem>>
        %dma_wait3A_417 = arith.constant 0 : i32
        %dma_wait3A_418 = arith.constant 0 : i32
        %dma_wait3A_419 = tpu.memref_slice %arg2[%dma_wait3A_417, %dma_wait3A_418] : memref<4096x100000xf32, #tpu.memory_space<any>> -> memref<1x128xf32, #tpu.memory_space<any>>
        %dma_wait3A_420 = arith.constant 0 : i32
        %dma_wait3A_421 = tpu.memref_slice %arg3[%rem3A_10, %dma_wait3A_420] : memref<128x128xf32, #tpu.memory_space<vmem>> -> memref<1x128xf32, #tpu.memory_space<vmem>>
        tpu.wait_dma2 semaphore(%dma_wait3A_416 : memref<!tpu.dma_semaphore, #tpu.memory_space<semaphore_mem>>) src(%dma_wait3A_421 : memref<1x128xf32, #tpu.memory_space<vmem>>) dst(%dma_wait3A_419 : memref<1x128xf32, #tpu.memory_space<any>>)
      } else {
      }
      %get3A = arith.index_cast %scan3A_9 : i32 to index
      %get3A_13 = memref.load %arg0[%get3A] : memref<4096xi32, #tpu.memory_space<smem>>
      %rem3A_14 = arith.constant 128 : i32
      %rem3A_15 = arith.remsi %get3A_13, %rem3A_14 : i32
      %eq3A = vector.broadcast %rem3A_15 : i32 to vector<1x128xi32>
      %eq3A_16 = arith.cmpi eq, %iota3A, %eq3A : vector<1x128xi32>
      %convert_element_type3A_17 = arith.extui %eq3A_16 : vector<1x128xi1> to vector<1x128xi32>
      %convert_element_type3A_18 = arith.sitofp %convert_element_type3A_17 : vector<1x128xi32> to vector<1x128xf32>
      %swap3A = arith.index_cast %rem3A_10 : i32 to index
      %swap3A_19 = arith.constant 0 : index
      %swap3A_20 = vector.load %arg3[%swap3A, %swap3A_19] : memref<128x128xf32, #tpu.memory_space<vmem>>, vector<1x128xf32>
      tpu.vector_store %arg3[%swap3A, %swap3A_19], %convert_element_type3A_18 {strides = array<i32>} : memref<128x128xf32, #tpu.memory_space<vmem>>, vector<1x128xf32>,
      %get3A_21 = arith.index_cast %scan3A_9 : i32 to index
      %get3A_22 = memref.load %arg0[%get3A_21] : memref<4096xi32, #tpu.memory_space<smem>>
      %jit3A = arith.constant 128 : i32
      %div3A = arith.divsi %get3A_22, %jit3A : i32
      %sign3A = arith.constant 0 : i32
      %sign3A_23 = arith.cmpi sgt, %get3A_22, %sign3A : i32
      %sign3A_24 = arith.extui %sign3A_23 : i1 to i32
      %sign3A_25 = arith.constant 0 : i32
      %sign3A_26 = arith.cmpi slt, %get3A_22, %sign3A_25 : i32
      %sign3A_27 = arith.extui %sign3A_26 : i1 to i32
      %sign3A_28 = arith.subi %sign3A_24, %sign3A_27 : i32
      %sign3A_29 = arith.constant 0 : i32
      %sign3A_30 = arith.cmpi sgt, %jit3A, %sign3A_29 : i32
      %sign3A_31 = arith.extui %sign3A_30 : i1 to i32
      %sign3A_32 = arith.constant 0 : i32
      %sign3A_33 = arith.cmpi slt, %jit3A, %sign3A_32 : i32
      %sign3A_34 = arith.extui %sign3A_33 : i1 to i32
      %sign3A_35 = arith.subi %sign3A_31, %sign3A_34 : i32
      %ne3A = arith.cmpi ne, %sign3A_28, %sign3A_35 : i32
      %rem3A_36 = arith.remsi %get3A_22, %jit3A : i32
      %ne3A_37 = arith.constant 0 : i32
      %ne3A_38 = arith.cmpi ne, %rem3A_36, %ne3A_37 : i32
      %and3A = arith.andi %ne3A, %ne3A_38 : i1
      %sub3A = arith.constant 1 : i32
      %sub3A_39 = arith.subi %div3A, %sub3A : i32
      %select_n3A = arith.select %and3A, %sub3A_39, %div3A : i32
      %mul3A = arith.constant 128 : i32
      %mul3A_40 = arith.muli %select_n3A, %mul3A : i32
      %dma_start3A = tpu.memref_slice %arg4[%rem3A_10] : memref<128x!tpu.dma_semaphore, #tpu.memory_space<semaphore_mem>> -> memref<1x!tpu.dma_semaphore, #tpu.memory_space<semaphore_mem>>
      %dma_start3A_41 = tpu.memref_squeeze %dma_start3A : memref<1x!tpu.dma_semaphore, #tpu.memory_space<semaphore_mem>> -> memref<!tpu.dma_semaphore, #tpu.memory_space<semaphore_mem>>
      %dma_start3A_42 = tpu.memref_slice %arg2[%scan3A_9, %mul3A_40] : memref<4096x100000xf32, #tpu.memory_space<any>> -> memref<1x128xf32, #tpu.memory_space<any>>
      %dma_start3A_43 = arith.constant 0 : i32
      %dma_start3A_44 = tpu.memref_slice %arg3[%rem3A_10, %dma_start3A_43] : memref<128x128xf32, #tpu.memory_space<vmem>> -> memref<1x128xf32, #tpu.memory_space<vmem>>
      tpu.enqueue_dma source(%dma_start3A_44 : memref<1x128xf32, #tpu.memory_space<vmem>>) target(%dma_start3A_42 : memref<1x128xf32, #tpu.memory_space<any>>) target_semaphore(%dma_start3A_41 : memref<!tpu.dma_semaphore, #tpu.memory_space<semaphore_mem>>)
      %scan3A_45 = arith.constant 1 : i32
      %scan3A_46 = arith.addi %scan3A_9, %scan3A_45 : i32
      %rem3A_47 = arith.constant 128 : i32
      %rem3A_48 = arith.remsi %scan3A_46, %rem3A_47 : i32
      %ge3A_49 = arith.constant 128 : i32
      %ge3A_50 = arith.cmpi sge, %scan3A_46, %ge3A_49 : i32
      %convert_element_type3A_51 = arith.extui %ge3A_50 : i1 to i32
      %cond3A_52 = arith.constant 0 : i32
      %cond3A_53 = arith.cmpi ne, %convert_element_type3A_51, %cond3A_52 : i32
      scf.if %cond3A_53 {
        %dma_wait3A = tpu.memref_slice %arg4[%rem3A_48] : memref<128x!tpu.dma_semaphore, #tpu.memory_space<semaphore_mem>> -> memref<1x!tpu.dma_semaphore, #tpu.memory_space<semaphore_mem>>
        %dma_wait3A_416 = tpu.memref_squeeze %dma_wait3A : memref<1x!tpu.dma_semaphore, #tpu.memory_space<semaphore_mem>> -> memref<!tpu.dma_semaphore, #tpu.memory_space<semaphore_mem>>
        %dma_wait3A_417 = arith.constant 0 : i32
        %dma_wait3A_418 = arith.constant 0 : i32
        %dma_wait3A_419 = tpu.memref_slice %arg2[%dma_wait3A_417, %dma_wait3A_418] : memref<4096x100000xf32, #tpu.memory_space<any>> -> memref<1x128xf32, #tpu.memory_space<any>>
        %dma_wait3A_420 = arith.constant 0 : i32
        %dma_wait3A_421 = tpu.memref_slice %arg3[%rem3A_48, %dma_wait3A_420] : memref<128x128xf32, #tpu.memory_space<vmem>> -> memref<1x128xf32, #tpu.memory_space<vmem>>
        tpu.wait_dma2 semaphore(%dma_wait3A_416 : memref<!tpu.dma_semaphore, #tpu.memory_space<semaphore_mem>>) src(%dma_wait3A_421 : memref<1x128xf32, #tpu.memory_space<vmem>>) dst(%dma_wait3A_419 : memref<1x128xf32, #tpu.memory_space<any>>)
      } else {
      }
      %get3A_54 = arith.index_cast %scan3A_46 : i32 to index
      %get3A_55 = memref.load %arg0[%get3A_54] : memref<4096xi32, #tpu.memory_space<smem>>
      %rem3A_56 = arith.constant 128 : i32
      %rem3A_57 = arith.remsi %get3A_55, %rem3A_56 : i32
      %eq3A_58 = vector.broadcast %rem3A_57 : i32 to vector<1x128xi32>
      %eq3A_59 = arith.cmpi eq, %iota3A, %eq3A_58 : vector<1x128xi32>
      %convert_element_type3A_60 = arith.extui %eq3A_59 : vector<1x128xi1> to vector<1x128xi32>
      %convert_element_type3A_61 = arith.sitofp %convert_element_type3A_60 : vector<1x128xi32> to vector<1x128xf32>
      %swap3A_62 = arith.index_cast %rem3A_48 : i32 to index
      %swap3A_63 = arith.constant 0 : index
      %swap3A_64 = vector.load %arg3[%swap3A_62, %swap3A_63] : memref<128x128xf32, #tpu.memory_space<vmem>>, vector<1x128xf32>
      tpu.vector_store %arg3[%swap3A_62, %swap3A_63], %convert_element_type3A_61 {strides = array<i32>} : memref<128x128xf32, #tpu.memory_space<vmem>>, vector<1x128xf32>,
      %get3A_65 = arith.index_cast %scan3A_46 : i32 to index
      %get3A_66 = memref.load %arg0[%get3A_65] : memref<4096xi32, #tpu.memory_space<smem>>
      %jit3A_67 = arith.constant 128 : i32
      %div3A_68 = arith.divsi %get3A_66, %jit3A_67 : i32
      %sign3A_69 = arith.constant 0 : i32
      %sign3A_70 = arith.cmpi sgt, %get3A_66, %sign3A_69 : i32
      %sign3A_71 = arith.extui %sign3A_70 : i1 to i32
      %sign3A_72 = arith.constant 0 : i32
      %sign3A_73 = arith.cmpi slt, %get3A_66, %sign3A_72 : i32
      %sign3A_74 = arith.extui %sign3A_73 : i1 to i32
      %sign3A_75 = arith.subi %sign3A_71, %sign3A_74 : i32
      %sign3A_76 = arith.constant 0 : i32
      %sign3A_77 = arith.cmpi sgt, %jit3A_67, %sign3A_76 : i32
      %sign3A_78 = arith.extui %sign3A_77 : i1 to i32
      %sign3A_79 = arith.constant 0 : i32
      %sign3A_80 = arith.cmpi slt, %jit3A_67, %sign3A_79 : i32
      %sign3A_81 = arith.extui %sign3A_80 : i1 to i32
      %sign3A_82 = arith.subi %sign3A_78, %sign3A_81 : i32
      %ne3A_83 = arith.cmpi ne, %sign3A_75, %sign3A_82 : i32
      %rem3A_84 = arith.remsi %get3A_66, %jit3A_67 : i32
      %ne3A_85 = arith.constant 0 : i32
      %ne3A_86 = arith.cmpi ne, %rem3A_84, %ne3A_85 : i32
      %and3A_87 = arith.andi %ne3A_83, %ne3A_86 : i1
      %sub3A_88 = arith.constant 1 : i32
      %sub3A_89 = arith.subi %div3A_68, %sub3A_88 : i32
      %select_n3A_90 = arith.select %and3A_87, %sub3A_89, %div3A_68 : i32
      %mul3A_91 = arith.constant 128 : i32
      %mul3A_92 = arith.muli %select_n3A_90, %mul3A_91 : i32
      %dma_start3A_93 = tpu.memref_slice %arg4[%rem3A_48] : memref<128x!tpu.dma_semaphore, #tpu.memory_space<semaphore_mem>> -> memref<1x!tpu.dma_semaphore, #tpu.memory_space<semaphore_mem>>
      %dma_start3A_94 = tpu.memref_squeeze %dma_start3A_93 : memref<1x!tpu.dma_semaphore, #tpu.memory_space<semaphore_mem>> -> memref<!tpu.dma_semaphore, #tpu.memory_space<semaphore_mem>>
      %dma_start3A_95 = tpu.memref_slice %arg2[%scan3A_46, %mul3A_92] : memref<4096x100000xf32, #tpu.memory_space<any>> -> memref<1x128xf32, #tpu.memory_space<any>>
      %dma_start3A_96 = arith.constant 0 : i32
      %dma_start3A_97 = tpu.memref_slice %arg3[%rem3A_48, %dma_start3A_96] : memref<128x128xf32, #tpu.memory_space<vmem>> -> memref<1x128xf32, #tpu.memory_space<vmem>>
      tpu.enqueue_dma source(%dma_start3A_97 : memref<1x128xf32, #tpu.memory_space<vmem>>) target(%dma_start3A_95 : memref<1x128xf32, #tpu.memory_space<any>>) target_semaphore(%dma_start3A_94 : memref<!tpu.dma_semaphore, #tpu.memory_space<semaphore_mem>>)
      %scan3A_98 = arith.constant 2 : i32
      %scan3A_99 = arith.addi %scan3A_9, %scan3A_98 : i32
      %rem3A_100 = arith.constant 128 : i32
      %rem3A_101 = arith.remsi %scan3A_99, %rem3A_100 : i32
      %ge3A_102 = arith.constant 128 : i32
      %ge3A_103 = arith.cmpi sge, %scan3A_99, %ge3A_102 : i32
      %convert_element_type3A_104 = arith.extui %ge3A_103 : i1 to i32
      %cond3A_105 = arith.constant 0 : i32
      %cond3A_106 = arith.cmpi ne, %convert_element_type3A_104, %cond3A_105 : i32
      scf.if %cond3A_106 {
        %dma_wait3A = tpu.memref_slice %arg4[%rem3A_101] : memref<128x!tpu.dma_semaphore, #tpu.memory_space<semaphore_mem>> -> memref<1x!tpu.dma_semaphore, #tpu.memory_space<semaphore_mem>>
        %dma_wait3A_416 = tpu.memref_squeeze %dma_wait3A : memref<1x!tpu.dma_semaphore, #tpu.memory_space<semaphore_mem>> -> memref<!tpu.dma_semaphore, #tpu.memory_space<semaphore_mem>>
        %dma_wait3A_417 = arith.constant 0 : i32
        %dma_wait3A_418 = arith.constant 0 : i32
        %dma_wait3A_419 = tpu.memref_slice %arg2[%dma_wait3A_417, %dma_wait3A_418] : memref<4096x100000xf32, #tpu.memory_space<any>> -> memref<1x128xf32, #tpu.memory_space<any>>
        %dma_wait3A_420 = arith.constant 0 : i32
        %dma_wait3A_421 = tpu.memref_slice %arg3[%rem3A_101, %dma_wait3A_420] : memref<128x128xf32, #tpu.memory_space<vmem>> -> memref<1x128xf32, #tpu.memory_space<vmem>>
        tpu.wait_dma2 semaphore(%dma_wait3A_416 : memref<!tpu.dma_semaphore, #tpu.memory_space<semaphore_mem>>) src(%dma_wait3A_421 : memref<1x128xf32, #tpu.memory_space<vmem>>) dst(%dma_wait3A_419 : memref<1x128xf32, #tpu.memory_space<any>>)
      } else {
      }
      %get3A_107 = arith.index_cast %scan3A_99 : i32 to index
      %get3A_108 = memref.load %arg0[%get3A_107] : memref<4096xi32, #tpu.memory_space<smem>>
      %rem3A_109 = arith.constant 128 : i32
      %rem3A_110 = arith.remsi %get3A_108, %rem3A_109 : i32
      %eq3A_111 = vector.broadcast %rem3A_110 : i32 to vector<1x128xi32>
      %eq3A_112 = arith.cmpi eq, %iota3A, %eq3A_111 : vector<1x128xi32>
      %convert_element_type3A_113 = arith.extui %eq3A_112 : vector<1x128xi1> to vector<1x128xi32>
      %convert_element_type3A_114 = arith.sitofp %convert_element_type3A_113 : vector<1x128xi32> to vector<1x128xf32>
      %swap3A_115 = arith.index_cast %rem3A_101 : i32 to index
      %swap3A_116 = arith.constant 0 : index
      %swap3A_117 = vector.load %arg3[%swap3A_115, %swap3A_116] : memref<128x128xf32, #tpu.memory_space<vmem>>, vector<1x128xf32>
      tpu.vector_store %arg3[%swap3A_115, %swap3A_116], %convert_element_type3A_114 {strides = array<i32>} : memref<128x128xf32, #tpu.memory_space<vmem>>, vector<1x128xf32>,
      %get3A_118 = arith.index_cast %scan3A_99 : i32 to index
      %get3A_119 = memref.load %arg0[%get3A_118] : memref<4096xi32, #tpu.memory_space<smem>>
      %jit3A_120 = arith.constant 128 : i32
      %div3A_121 = arith.divsi %get3A_119, %jit3A_120 : i32
      %sign3A_122 = arith.constant 0 : i32
      %sign3A_123 = arith.cmpi sgt, %get3A_119, %sign3A_122 : i32
      %sign3A_124 = arith.extui %sign3A_123 : i1 to i32
      %sign3A_125 = arith.constant 0 : i32
      %sign3A_126 = arith.cmpi slt, %get3A_119, %sign3A_125 : i32
      %sign3A_127 = arith.extui %sign3A_126 : i1 to i32
      %sign3A_128 = arith.subi %sign3A_124, %sign3A_127 : i32
      %sign3A_129 = arith.constant 0 : i32
      %sign3A_130 = arith.cmpi sgt, %jit3A_120, %sign3A_129 : i32
      %sign3A_131 = arith.extui %sign3A_130 : i1 to i32
      %sign3A_132 = arith.constant 0 : i32
      %sign3A_133 = arith.cmpi slt, %jit3A_120, %sign3A_132 : i32
      %sign3A_134 = arith.extui %sign3A_133 : i1 to i32
      %sign3A_135 = arith.subi %sign3A_131, %sign3A_134 : i32
      %ne3A_136 = arith.cmpi ne, %sign3A_128, %sign3A_135 : i32
      %rem3A_137 = arith.remsi %get3A_119, %jit3A_120 : i32
      %ne3A_138 = arith.constant 0 : i32
      %ne3A_139 = arith.cmpi ne, %rem3A_137, %ne3A_138 : i32
      %and3A_140 = arith.andi %ne3A_136, %ne3A_139 : i1
      %sub3A_141 = arith.constant 1 : i32
      %sub3A_142 = arith.subi %div3A_121, %sub3A_141 : i32
      %select_n3A_143 = arith.select %and3A_140, %sub3A_142, %div3A_121 : i32
      %mul3A_144 = arith.constant 128 : i32
      %mul3A_145 = arith.muli %select_n3A_143, %mul3A_144 : i32
      %dma_start3A_146 = tpu.memref_slice %arg4[%rem3A_101] : memref<128x!tpu.dma_semaphore, #tpu.memory_space<semaphore_mem>> -> memref<1x!tpu.dma_semaphore, #tpu.memory_space<semaphore_mem>>
      %dma_start3A_147 = tpu.memref_squeeze %dma_start3A_146 : memref<1x!tpu.dma_semaphore, #tpu.memory_space<semaphore_mem>> -> memref<!tpu.dma_semaphore, #tpu.memory_space<semaphore_mem>>
      %dma_start3A_148 = tpu.memref_slice %arg2[%scan3A_99, %mul3A_145] : memref<4096x100000xf32, #tpu.memory_space<any>> -> memref<1x128xf32, #tpu.memory_space<any>>
      %dma_start3A_149 = arith.constant 0 : i32
      %dma_start3A_150 = tpu.memref_slice %arg3[%rem3A_101, %dma_start3A_149] : memref<128x128xf32, #tpu.memory_space<vmem>> -> memref<1x128xf32, #tpu.memory_space<vmem>>
      tpu.enqueue_dma source(%dma_start3A_150 : memref<1x128xf32, #tpu.memory_space<vmem>>) target(%dma_start3A_148 : memref<1x128xf32, #tpu.memory_space<any>>) target_semaphore(%dma_start3A_147 : memref<!tpu.dma_semaphore, #tpu.memory_space<semaphore_mem>>)
      %scan3A_151 = arith.constant 3 : i32
      %scan3A_152 = arith.addi %scan3A_9, %scan3A_151 : i32
      %rem3A_153 = arith.constant 128 : i32
      %rem3A_154 = arith.remsi %scan3A_152, %rem3A_153 : i32
      %ge3A_155 = arith.constant 128 : i32
      %ge3A_156 = arith.cmpi sge, %scan3A_152, %ge3A_155 : i32
      %convert_element_type3A_157 = arith.extui %ge3A_156 : i1 to i32
      %cond3A_158 = arith.constant 0 : i32
      %cond3A_159 = arith.cmpi ne, %convert_element_type3A_157, %cond3A_158 : i32
      scf.if %cond3A_159 {
        %dma_wait3A = tpu.memref_slice %arg4[%rem3A_154] : memref<128x!tpu.dma_semaphore, #tpu.memory_space<semaphore_mem>> -> memref<1x!tpu.dma_semaphore, #tpu.memory_space<semaphore_mem>>
        %dma_wait3A_416 = tpu.memref_squeeze %dma_wait3A : memref<1x!tpu.dma_semaphore, #tpu.memory_space<semaphore_mem>> -> memref<!tpu.dma_semaphore, #tpu.memory_space<semaphore_mem>>
        %dma_wait3A_417 = arith.constant 0 : i32
        %dma_wait3A_418 = arith.constant 0 : i32
        %dma_wait3A_419 = tpu.memref_slice %arg2[%dma_wait3A_417, %dma_wait3A_418] : memref<4096x100000xf32, #tpu.memory_space<any>> -> memref<1x128xf32, #tpu.memory_space<any>>
        %dma_wait3A_420 = arith.constant 0 : i32
        %dma_wait3A_421 = tpu.memref_slice %arg3[%rem3A_154, %dma_wait3A_420] : memref<128x128xf32, #tpu.memory_space<vmem>> -> memref<1x128xf32, #tpu.memory_space<vmem>>
        tpu.wait_dma2 semaphore(%dma_wait3A_416 : memref<!tpu.dma_semaphore, #tpu.memory_space<semaphore_mem>>) src(%dma_wait3A_421 : memref<1x128xf32, #tpu.memory_space<vmem>>) dst(%dma_wait3A_419 : memref<1x128xf32, #tpu.memory_space<any>>)
      } else {
      }
      %get3A_160 = arith.index_cast %scan3A_152 : i32 to index
      %get3A_161 = memref.load %arg0[%get3A_160] : memref<4096xi32, #tpu.memory_space<smem>>
      %rem3A_162 = arith.constant 128 : i32
      %rem3A_163 = arith.remsi %get3A_161, %rem3A_162 : i32
      %eq3A_164 = vector.broadcast %rem3A_163 : i32 to vector<1x128xi32>
      %eq3A_165 = arith.cmpi eq, %iota3A, %eq3A_164 : vector<1x128xi32>
      %convert_element_type3A_166 = arith.extui %eq3A_165 : vector<1x128xi1> to vector<1x128xi32>
      %convert_element_type3A_167 = arith.sitofp %convert_element_type3A_166 : vector<1x128xi32> to vector<1x128xf32>
      %swap3A_168 = arith.index_cast %rem3A_154 : i32 to index
      %swap3A_169 = arith.constant 0 : index
      %swap3A_170 = vector.load %arg3[%swap3A_168, %swap3A_169] : memref<128x128xf32, #tpu.memory_space<vmem>>, vector<1x128xf32>
      tpu.vector_store %arg3[%swap3A_168, %swap3A_169], %convert_element_type3A_167 {strides = array<i32>} : memref<128x128xf32, #tpu.memory_space<vmem>>, vector<1x128xf32>,
      %get3A_171 = arith.index_cast %scan3A_152 : i32 to index
      %get3A_172 = memref.load %arg0[%get3A_171] : memref<4096xi32, #tpu.memory_space<smem>>
      %jit3A_173 = arith.constant 128 : i32
      %div3A_174 = arith.divsi %get3A_172, %jit3A_173 : i32
      %sign3A_175 = arith.constant 0 : i32
      %sign3A_176 = arith.cmpi sgt, %get3A_172, %sign3A_175 : i32
      %sign3A_177 = arith.extui %sign3A_176 : i1 to i32
      %sign3A_178 = arith.constant 0 : i32
      %sign3A_179 = arith.cmpi slt, %get3A_172, %sign3A_178 : i32
      %sign3A_180 = arith.extui %sign3A_179 : i1 to i32
      %sign3A_181 = arith.subi %sign3A_177, %sign3A_180 : i32
      %sign3A_182 = arith.constant 0 : i32
      %sign3A_183 = arith.cmpi sgt, %jit3A_173, %sign3A_182 : i32
      %sign3A_184 = arith.extui %sign3A_183 : i1 to i32
      %sign3A_185 = arith.constant 0 : i32
      %sign3A_186 = arith.cmpi slt, %jit3A_173, %sign3A_185 : i32
      %sign3A_187 = arith.extui %sign3A_186 : i1 to i32
      %sign3A_188 = arith.subi %sign3A_184, %sign3A_187 : i32
      %ne3A_189 = arith.cmpi ne, %sign3A_181, %sign3A_188 : i32
      %rem3A_190 = arith.remsi %get3A_172, %jit3A_173 : i32
      %ne3A_191 = arith.constant 0 : i32
      %ne3A_192 = arith.cmpi ne, %rem3A_190, %ne3A_191 : i32
      %and3A_193 = arith.andi %ne3A_189, %ne3A_192 : i1
      %sub3A_194 = arith.constant 1 : i32
      %sub3A_195 = arith.subi %div3A_174, %sub3A_194 : i32
      %select_n3A_196 = arith.select %and3A_193, %sub3A_195, %div3A_174 : i32
      %mul3A_197 = arith.constant 128 : i32
      %mul3A_198 = arith.muli %select_n3A_196, %mul3A_197 : i32
      %dma_start3A_199 = tpu.memref_slice %arg4[%rem3A_154] : memref<128x!tpu.dma_semaphore, #tpu.memory_space<semaphore_mem>> -> memref<1x!tpu.dma_semaphore, #tpu.memory_space<semaphore_mem>>
      %dma_start3A_200 = tpu.memref_squeeze %dma_start3A_199 : memref<1x!tpu.dma_semaphore, #tpu.memory_space<semaphore_mem>> -> memref<!tpu.dma_semaphore, #tpu.memory_space<semaphore_mem>>
      %dma_start3A_201 = tpu.memref_slice %arg2[%scan3A_152, %mul3A_198] : memref<4096x100000xf32, #tpu.memory_space<any>> -> memref<1x128xf32, #tpu.memory_space<any>>
      %dma_start3A_202 = arith.constant 0 : i32
      %dma_start3A_203 = tpu.memref_slice %arg3[%rem3A_154, %dma_start3A_202] : memref<128x128xf32, #tpu.memory_space<vmem>> -> memref<1x128xf32, #tpu.memory_space<vmem>>
      tpu.enqueue_dma source(%dma_start3A_203 : memref<1x128xf32, #tpu.memory_space<vmem>>) target(%dma_start3A_201 : memref<1x128xf32, #tpu.memory_space<any>>) target_semaphore(%dma_start3A_200 : memref<!tpu.dma_semaphore, #tpu.memory_space<semaphore_mem>>)
      %scan3A_204 = arith.constant 4 : i32
      %scan3A_205 = arith.addi %scan3A_9, %scan3A_204 : i32
      %rem3A_206 = arith.constant 128 : i32
      %rem3A_207 = arith.remsi %scan3A_205, %rem3A_206 : i32
      %ge3A_208 = arith.constant 128 : i32
      %ge3A_209 = arith.cmpi sge, %scan3A_205, %ge3A_208 : i32
      %convert_element_type3A_210 = arith.extui %ge3A_209 : i1 to i32
      %cond3A_211 = arith.constant 0 : i32
      %cond3A_212 = arith.cmpi ne, %convert_element_type3A_210, %cond3A_211 : i32
      scf.if %cond3A_212 {
        %dma_wait3A = tpu.memref_slice %arg4[%rem3A_207] : memref<128x!tpu.dma_semaphore, #tpu.memory_space<semaphore_mem>> -> memref<1x!tpu.dma_semaphore, #tpu.memory_space<semaphore_mem>>
        %dma_wait3A_416 = tpu.memref_squeeze %dma_wait3A : memref<1x!tpu.dma_semaphore, #tpu.memory_space<semaphore_mem>> -> memref<!tpu.dma_semaphore, #tpu.memory_space<semaphore_mem>>
        %dma_wait3A_417 = arith.constant 0 : i32
        %dma_wait3A_418 = arith.constant 0 : i32
        %dma_wait3A_419 = tpu.memref_slice %arg2[%dma_wait3A_417, %dma_wait3A_418] : memref<4096x100000xf32, #tpu.memory_space<any>> -> memref<1x128xf32, #tpu.memory_space<any>>
        %dma_wait3A_420 = arith.constant 0 : i32
        %dma_wait3A_421 = tpu.memref_slice %arg3[%rem3A_207, %dma_wait3A_420] : memref<128x128xf32, #tpu.memory_space<vmem>> -> memref<1x128xf32, #tpu.memory_space<vmem>>
        tpu.wait_dma2 semaphore(%dma_wait3A_416 : memref<!tpu.dma_semaphore, #tpu.memory_space<semaphore_mem>>) src(%dma_wait3A_421 : memref<1x128xf32, #tpu.memory_space<vmem>>) dst(%dma_wait3A_419 : memref<1x128xf32, #tpu.memory_space<any>>)
      } else {
      }
      %get3A_213 = arith.index_cast %scan3A_205 : i32 to index
      %get3A_214 = memref.load %arg0[%get3A_213] : memref<4096xi32, #tpu.memory_space<smem>>
      %rem3A_215 = arith.constant 128 : i32
      %rem3A_216 = arith.remsi %get3A_214, %rem3A_215 : i32
      %eq3A_217 = vector.broadcast %rem3A_216 : i32 to vector<1x128xi32>
      %eq3A_218 = arith.cmpi eq, %iota3A, %eq3A_217 : vector<1x128xi32>
      %convert_element_type3A_219 = arith.extui %eq3A_218 : vector<1x128xi1> to vector<1x128xi32>
      %convert_element_type3A_220 = arith.sitofp %convert_element_type3A_219 : vector<1x128xi32> to vector<1x128xf32>
      %swap3A_221 = arith.index_cast %rem3A_207 : i32 to index
      %swap3A_222 = arith.constant 0 : index
      %swap3A_223 = vector.load %arg3[%swap3A_221, %swap3A_222] : memref<128x128xf32, #tpu.memory_space<vmem>>, vector<1x128xf32>
      tpu.vector_store %arg3[%swap3A_221, %swap3A_222], %convert_element_type3A_220 {strides = array<i32>} : memref<128x128xf32, #tpu.memory_space<vmem>>, vector<1x128xf32>,
      %get3A_224 = arith.index_cast %scan3A_205 : i32 to index
      %get3A_225 = memref.load %arg0[%get3A_224] : memref<4096xi32, #tpu.memory_space<smem>>
      %jit3A_226 = arith.constant 128 : i32
      %div3A_227 = arith.divsi %get3A_225, %jit3A_226 : i32
      %sign3A_228 = arith.constant 0 : i32
      %sign3A_229 = arith.cmpi sgt, %get3A_225, %sign3A_228 : i32
      %sign3A_230 = arith.extui %sign3A_229 : i1 to i32
      %sign3A_231 = arith.constant 0 : i32
      %sign3A_232 = arith.cmpi slt, %get3A_225, %sign3A_231 : i32
      %sign3A_233 = arith.extui %sign3A_232 : i1 to i32
      %sign3A_234 = arith.subi %sign3A_230, %sign3A_233 : i32
      %sign3A_235 = arith.constant 0 : i32
      %sign3A_236 = arith.cmpi sgt, %jit3A_226, %sign3A_235 : i32
      %sign3A_237 = arith.extui %sign3A_236 : i1 to i32
      %sign3A_238 = arith.constant 0 : i32
      %sign3A_239 = arith.cmpi slt, %jit3A_226, %sign3A_238 : i32
      %sign3A_240 = arith.extui %sign3A_239 : i1 to i32
      %sign3A_241 = arith.subi %sign3A_237, %sign3A_240 : i32
      %ne3A_242 = arith.cmpi ne, %sign3A_234, %sign3A_241 : i32
      %rem3A_243 = arith.remsi %get3A_225, %jit3A_226 : i32
      %ne3A_244 = arith.constant 0 : i32
      %ne3A_245 = arith.cmpi ne, %rem3A_243, %ne3A_244 : i32
      %and3A_246 = arith.andi %ne3A_242, %ne3A_245 : i1
      %sub3A_247 = arith.constant 1 : i32
      %sub3A_248 = arith.subi %div3A_227, %sub3A_247 : i32
      %select_n3A_249 = arith.select %and3A_246, %sub3A_248, %div3A_227 : i32
      %mul3A_250 = arith.constant 128 : i32
      %mul3A_251 = arith.muli %select_n3A_249, %mul3A_250 : i32
      %dma_start3A_252 = tpu.memref_slice %arg4[%rem3A_207] : memref<128x!tpu.dma_semaphore, #tpu.memory_space<semaphore_mem>> -> memref<1x!tpu.dma_semaphore, #tpu.memory_space<semaphore_mem>>
      %dma_start3A_253 = tpu.memref_squeeze %dma_start3A_252 : memref<1x!tpu.dma_semaphore, #tpu.memory_space<semaphore_mem>> -> memref<!tpu.dma_semaphore, #tpu.memory_space<semaphore_mem>>
      %dma_start3A_254 = tpu.memref_slice %arg2[%scan3A_205, %mul3A_251] : memref<4096x100000xf32, #tpu.memory_space<any>> -> memref<1x128xf32, #tpu.memory_space<any>>
      %dma_start3A_255 = arith.constant 0 : i32
      %dma_start3A_256 = tpu.memref_slice %arg3[%rem3A_207, %dma_start3A_255] : memref<128x128xf32, #tpu.memory_space<vmem>> -> memref<1x128xf32, #tpu.memory_space<vmem>>
      tpu.enqueue_dma source(%dma_start3A_256 : memref<1x128xf32, #tpu.memory_space<vmem>>) target(%dma_start3A_254 : memref<1x128xf32, #tpu.memory_space<any>>) target_semaphore(%dma_start3A_253 : memref<!tpu.dma_semaphore, #tpu.memory_space<semaphore_mem>>)
      %scan3A_257 = arith.constant 5 : i32
      %scan3A_258 = arith.addi %scan3A_9, %scan3A_257 : i32
      %rem3A_259 = arith.constant 128 : i32
      %rem3A_260 = arith.remsi %scan3A_258, %rem3A_259 : i32
      %ge3A_261 = arith.constant 128 : i32
      %ge3A_262 = arith.cmpi sge, %scan3A_258, %ge3A_261 : i32
      %convert_element_type3A_263 = arith.extui %ge3A_262 : i1 to i32
      %cond3A_264 = arith.constant 0 : i32
      %cond3A_265 = arith.cmpi ne, %convert_element_type3A_263, %cond3A_264 : i32
      scf.if %cond3A_265 {
        %dma_wait3A = tpu.memref_slice %arg4[%rem3A_260] : memref<128x!tpu.dma_semaphore, #tpu.memory_space<semaphore_mem>> -> memref<1x!tpu.dma_semaphore, #tpu.memory_space<semaphore_mem>>
        %dma_wait3A_416 = tpu.memref_squeeze %dma_wait3A : memref<1x!tpu.dma_semaphore, #tpu.memory_space<semaphore_mem>> -> memref<!tpu.dma_semaphore, #tpu.memory_space<semaphore_mem>>
        %dma_wait3A_417 = arith.constant 0 : i32
        %dma_wait3A_418 = arith.constant 0 : i32
        %dma_wait3A_419 = tpu.memref_slice %arg2[%dma_wait3A_417, %dma_wait3A_418] : memref<4096x100000xf32, #tpu.memory_space<any>> -> memref<1x128xf32, #tpu.memory_space<any>>
        %dma_wait3A_420 = arith.constant 0 : i32
        %dma_wait3A_421 = tpu.memref_slice %arg3[%rem3A_260, %dma_wait3A_420] : memref<128x128xf32, #tpu.memory_space<vmem>> -> memref<1x128xf32, #tpu.memory_space<vmem>>
        tpu.wait_dma2 semaphore(%dma_wait3A_416 : memref<!tpu.dma_semaphore, #tpu.memory_space<semaphore_mem>>) src(%dma_wait3A_421 : memref<1x128xf32, #tpu.memory_space<vmem>>) dst(%dma_wait3A_419 : memref<1x128xf32, #tpu.memory_space<any>>)
      } else {
      }
      %get3A_266 = arith.index_cast %scan3A_258 : i32 to index
      %get3A_267 = memref.load %arg0[%get3A_266] : memref<4096xi32, #tpu.memory_space<smem>>
      %rem3A_268 = arith.constant 128 : i32
      %rem3A_269 = arith.remsi %get3A_267, %rem3A_268 : i32
      %eq3A_270 = vector.broadcast %rem3A_269 : i32 to vector<1x128xi32>
      %eq3A_271 = arith.cmpi eq, %iota3A, %eq3A_270 : vector<1x128xi32>
      %convert_element_type3A_272 = arith.extui %eq3A_271 : vector<1x128xi1> to vector<1x128xi32>
      %convert_element_type3A_273 = arith.sitofp %convert_element_type3A_272 : vector<1x128xi32> to vector<1x128xf32>
      %swap3A_274 = arith.index_cast %rem3A_260 : i32 to index
      %swap3A_275 = arith.constant 0 : index
      %swap3A_276 = vector.load %arg3[%swap3A_274, %swap3A_275] : memref<128x128xf32, #tpu.memory_space<vmem>>, vector<1x128xf32>
      tpu.vector_store %arg3[%swap3A_274, %swap3A_275], %convert_element_type3A_273 {strides = array<i32>} : memref<128x128xf32, #tpu.memory_space<vmem>>, vector<1x128xf32>,
      %get3A_277 = arith.index_cast %scan3A_258 : i32 to index
      %get3A_278 = memref.load %arg0[%get3A_277] : memref<4096xi32, #tpu.memory_space<smem>>
      %jit3A_279 = arith.constant 128 : i32
      %div3A_280 = arith.divsi %get3A_278, %jit3A_279 : i32
      %sign3A_281 = arith.constant 0 : i32
      %sign3A_282 = arith.cmpi sgt, %get3A_278, %sign3A_281 : i32
      %sign3A_283 = arith.extui %sign3A_282 : i1 to i32
      %sign3A_284 = arith.constant 0 : i32
      %sign3A_285 = arith.cmpi slt, %get3A_278, %sign3A_284 : i32
      %sign3A_286 = arith.extui %sign3A_285 : i1 to i32
      %sign3A_287 = arith.subi %sign3A_283, %sign3A_286 : i32
      %sign3A_288 = arith.constant 0 : i32
      %sign3A_289 = arith.cmpi sgt, %jit3A_279, %sign3A_288 : i32
      %sign3A_290 = arith.extui %sign3A_289 : i1 to i32
      %sign3A_291 = arith.constant 0 : i32
      %sign3A_292 = arith.cmpi slt, %jit3A_279, %sign3A_291 : i32
      %sign3A_293 = arith.extui %sign3A_292 : i1 to i32
      %sign3A_294 = arith.subi %sign3A_290, %sign3A_293 : i32
      %ne3A_295 = arith.cmpi ne, %sign3A_287, %sign3A_294 : i32
      %rem3A_296 = arith.remsi %get3A_278, %jit3A_279 : i32
      %ne3A_297 = arith.constant 0 : i32
      %ne3A_298 = arith.cmpi ne, %rem3A_296, %ne3A_297 : i32
      %and3A_299 = arith.andi %ne3A_295, %ne3A_298 : i1
      %sub3A_300 = arith.constant 1 : i32
      %sub3A_301 = arith.subi %div3A_280, %sub3A_300 : i32
      %select_n3A_302 = arith.select %and3A_299, %sub3A_301, %div3A_280 : i32
      %mul3A_303 = arith.constant 128 : i32
      %mul3A_304 = arith.muli %select_n3A_302, %mul3A_303 : i32
      %dma_start3A_305 = tpu.memref_slice %arg4[%rem3A_260] : memref<128x!tpu.dma_semaphore, #tpu.memory_space<semaphore_mem>> -> memref<1x!tpu.dma_semaphore, #tpu.memory_space<semaphore_mem>>
      %dma_start3A_306 = tpu.memref_squeeze %dma_start3A_305 : memref<1x!tpu.dma_semaphore, #tpu.memory_space<semaphore_mem>> -> memref<!tpu.dma_semaphore, #tpu.memory_space<semaphore_mem>>
      %dma_start3A_307 = tpu.memref_slice %arg2[%scan3A_258, %mul3A_304] : memref<4096x100000xf32, #tpu.memory_space<any>> -> memref<1x128xf32, #tpu.memory_space<any>>
      %dma_start3A_308 = arith.constant 0 : i32
      %dma_start3A_309 = tpu.memref_slice %arg3[%rem3A_260, %dma_start3A_308] : memref<128x128xf32, #tpu.memory_space<vmem>> -> memref<1x128xf32, #tpu.memory_space<vmem>>
      tpu.enqueue_dma source(%dma_start3A_309 : memref<1x128xf32, #tpu.memory_space<vmem>>) target(%dma_start3A_307 : memref<1x128xf32, #tpu.memory_space<any>>) target_semaphore(%dma_start3A_306 : memref<!tpu.dma_semaphore, #tpu.memory_space<semaphore_mem>>)
      %scan3A_310 = arith.constant 6 : i32
      %scan3A_311 = arith.addi %scan3A_9, %scan3A_310 : i32
      %rem3A_312 = arith.constant 128 : i32
      %rem3A_313 = arith.remsi %scan3A_311, %rem3A_312 : i32
      %ge3A_314 = arith.constant 128 : i32
      %ge3A_315 = arith.cmpi sge, %scan3A_311, %ge3A_314 : i32
      %convert_element_type3A_316 = arith.extui %ge3A_315 : i1 to i32
      %cond3A_317 = arith.constant 0 : i32
      %cond3A_318 = arith.cmpi ne, %convert_element_type3A_316, %cond3A_317 : i32
      scf.if %cond3A_318 {
        %dma_wait3A = tpu.memref_slice %arg4[%rem3A_313] : memref<128x!tpu.dma_semaphore, #tpu.memory_space<semaphore_mem>> -> memref<1x!tpu.dma_semaphore, #tpu.memory_space<semaphore_mem>>
        %dma_wait3A_416 = tpu.memref_squeeze %dma_wait3A : memref<1x!tpu.dma_semaphore, #tpu.memory_space<semaphore_mem>> -> memref<!tpu.dma_semaphore, #tpu.memory_space<semaphore_mem>>
        %dma_wait3A_417 = arith.constant 0 : i32
        %dma_wait3A_418 = arith.constant 0 : i32
        %dma_wait3A_419 = tpu.memref_slice %arg2[%dma_wait3A_417, %dma_wait3A_418] : memref<4096x100000xf32, #tpu.memory_space<any>> -> memref<1x128xf32, #tpu.memory_space<any>>
        %dma_wait3A_420 = arith.constant 0 : i32
        %dma_wait3A_421 = tpu.memref_slice %arg3[%rem3A_313, %dma_wait3A_420] : memref<128x128xf32, #tpu.memory_space<vmem>> -> memref<1x128xf32, #tpu.memory_space<vmem>>
        tpu.wait_dma2 semaphore(%dma_wait3A_416 : memref<!tpu.dma_semaphore, #tpu.memory_space<semaphore_mem>>) src(%dma_wait3A_421 : memref<1x128xf32, #tpu.memory_space<vmem>>) dst(%dma_wait3A_419 : memref<1x128xf32, #tpu.memory_space<any>>)
      } else {
      }
      %get3A_319 = arith.index_cast %scan3A_311 : i32 to index
      %get3A_320 = memref.load %arg0[%get3A_319] : memref<4096xi32, #tpu.memory_space<smem>>
      %rem3A_321 = arith.constant 128 : i32
      %rem3A_322 = arith.remsi %get3A_320, %rem3A_321 : i32
      %eq3A_323 = vector.broadcast %rem3A_322 : i32 to vector<1x128xi32>
      %eq3A_324 = arith.cmpi eq, %iota3A, %eq3A_323 : vector<1x128xi32>
      %convert_element_type3A_325 = arith.extui %eq3A_324 : vector<1x128xi1> to vector<1x128xi32>
      %convert_element_type3A_326 = arith.sitofp %convert_element_type3A_325 : vector<1x128xi32> to vector<1x128xf32>
      %swap3A_327 = arith.index_cast %rem3A_313 : i32 to index
      %swap3A_328 = arith.constant 0 : index
      %swap3A_329 = vector.load %arg3[%swap3A_327, %swap3A_328] : memref<128x128xf32, #tpu.memory_space<vmem>>, vector<1x128xf32>
      tpu.vector_store %arg3[%swap3A_327, %swap3A_328], %convert_element_type3A_326 {strides = array<i32>} : memref<128x128xf32, #tpu.memory_space<vmem>>, vector<1x128xf32>,
      %get3A_330 = arith.index_cast %scan3A_311 : i32 to index
      %get3A_331 = memref.load %arg0[%get3A_330] : memref<4096xi32, #tpu.memory_space<smem>>
      %jit3A_332 = arith.constant 128 : i32
      %div3A_333 = arith.divsi %get3A_331, %jit3A_332 : i32
      %sign3A_334 = arith.constant 0 : i32
      %sign3A_335 = arith.cmpi sgt, %get3A_331, %sign3A_334 : i32
      %sign3A_336 = arith.extui %sign3A_335 : i1 to i32
      %sign3A_337 = arith.constant 0 : i32
      %sign3A_338 = arith.cmpi slt, %get3A_331, %sign3A_337 : i32
      %sign3A_339 = arith.extui %sign3A_338 : i1 to i32
      %sign3A_340 = arith.subi %sign3A_336, %sign3A_339 : i32
      %sign3A_341 = arith.constant 0 : i32
      %sign3A_342 = arith.cmpi sgt, %jit3A_332, %sign3A_341 : i32
      %sign3A_343 = arith.extui %sign3A_342 : i1 to i32
      %sign3A_344 = arith.constant 0 : i32
      %sign3A_345 = arith.cmpi slt, %jit3A_332, %sign3A_344 : i32
      %sign3A_346 = arith.extui %sign3A_345 : i1 to i32
      %sign3A_347 = arith.subi %sign3A_343, %sign3A_346 : i32
      %ne3A_348 = arith.cmpi ne, %sign3A_340, %sign3A_347 : i32
      %rem3A_349 = arith.remsi %get3A_331, %jit3A_332 : i32
      %ne3A_350 = arith.constant 0 : i32
      %ne3A_351 = arith.cmpi ne, %rem3A_349, %ne3A_350 : i32
      %and3A_352 = arith.andi %ne3A_348, %ne3A_351 : i1
      %sub3A_353 = arith.constant 1 : i32
      %sub3A_354 = arith.subi %div3A_333, %sub3A_353 : i32
      %select_n3A_355 = arith.select %and3A_352, %sub3A_354, %div3A_333 : i32
      %mul3A_356 = arith.constant 128 : i32
      %mul3A_357 = arith.muli %select_n3A_355, %mul3A_356 : i32
      %dma_start3A_358 = tpu.memref_slice %arg4[%rem3A_313] : memref<128x!tpu.dma_semaphore, #tpu.memory_space<semaphore_mem>> -> memref<1x!tpu.dma_semaphore, #tpu.memory_space<semaphore_mem>>
      %dma_start3A_359 = tpu.memref_squeeze %dma_start3A_358 : memref<1x!tpu.dma_semaphore, #tpu.memory_space<semaphore_mem>> -> memref<!tpu.dma_semaphore, #tpu.memory_space<semaphore_mem>>
      %dma_start3A_360 = tpu.memref_slice %arg2[%scan3A_311, %mul3A_357] : memref<4096x100000xf32, #tpu.memory_space<any>> -> memref<1x128xf32, #tpu.memory_space<any>>
      %dma_start3A_361 = arith.constant 0 : i32
      %dma_start3A_362 = tpu.memref_slice %arg3[%rem3A_313, %dma_start3A_361] : memref<128x128xf32, #tpu.memory_space<vmem>> -> memref<1x128xf32, #tpu.memory_space<vmem>>
      tpu.enqueue_dma source(%dma_start3A_362 : memref<1x128xf32, #tpu.memory_space<vmem>>) target(%dma_start3A_360 : memref<1x128xf32, #tpu.memory_space<any>>) target_semaphore(%dma_start3A_359 : memref<!tpu.dma_semaphore, #tpu.memory_space<semaphore_mem>>)
      %scan3A_363 = arith.constant 7 : i32
      %scan3A_364 = arith.addi %scan3A_9, %scan3A_363 : i32
      %rem3A_365 = arith.constant 128 : i32
      %rem3A_366 = arith.remsi %scan3A_364, %rem3A_365 : i32
      %ge3A_367 = arith.constant 128 : i32
      %ge3A_368 = arith.cmpi sge, %scan3A_364, %ge3A_367 : i32
      %convert_element_type3A_369 = arith.extui %ge3A_368 : i1 to i32
      %cond3A_370 = arith.constant 0 : i32
      %cond3A_371 = arith.cmpi ne, %convert_element_type3A_369, %cond3A_370 : i32
      scf.if %cond3A_371 {
        %dma_wait3A = tpu.memref_slice %arg4[%rem3A_366] : memref<128x!tpu.dma_semaphore, #tpu.memory_space<semaphore_mem>> -> memref<1x!tpu.dma_semaphore, #tpu.memory_space<semaphore_mem>>
        %dma_wait3A_416 = tpu.memref_squeeze %dma_wait3A : memref<1x!tpu.dma_semaphore, #tpu.memory_space<semaphore_mem>> -> memref<!tpu.dma_semaphore, #tpu.memory_space<semaphore_mem>>
        %dma_wait3A_417 = arith.constant 0 : i32
        %dma_wait3A_418 = arith.constant 0 : i32
        %dma_wait3A_419 = tpu.memref_slice %arg2[%dma_wait3A_417, %dma_wait3A_418] : memref<4096x100000xf32, #tpu.memory_space<any>> -> memref<1x128xf32, #tpu.memory_space<any>>
        %dma_wait3A_420 = arith.constant 0 : i32
        %dma_wait3A_421 = tpu.memref_slice %arg3[%rem3A_366, %dma_wait3A_420] : memref<128x128xf32, #tpu.memory_space<vmem>> -> memref<1x128xf32, #tpu.memory_space<vmem>>
        tpu.wait_dma2 semaphore(%dma_wait3A_416 : memref<!tpu.dma_semaphore, #tpu.memory_space<semaphore_mem>>) src(%dma_wait3A_421 : memref<1x128xf32, #tpu.memory_space<vmem>>) dst(%dma_wait3A_419 : memref<1x128xf32, #tpu.memory_space<any>>)
      } else {
      }
      %get3A_372 = arith.index_cast %scan3A_364 : i32 to index
      %get3A_373 = memref.load %arg0[%get3A_372] : memref<4096xi32, #tpu.memory_space<smem>>
      %rem3A_374 = arith.constant 128 : i32
      %rem3A_375 = arith.remsi %get3A_373, %rem3A_374 : i32
      %eq3A_376 = vector.broadcast %rem3A_375 : i32 to vector<1x128xi32>
      %eq3A_377 = arith.cmpi eq, %iota3A, %eq3A_376 : vector<1x128xi32>
      %convert_element_type3A_378 = arith.extui %eq3A_377 : vector<1x128xi1> to vector<1x128xi32>
      %convert_element_type3A_379 = arith.sitofp %convert_element_type3A_378 : vector<1x128xi32> to vector<1x128xf32>
      %swap3A_380 = arith.index_cast %rem3A_366 : i32 to index
      %swap3A_381 = arith.constant 0 : index
      %swap3A_382 = vector.load %arg3[%swap3A_380, %swap3A_381] : memref<128x128xf32, #tpu.memory_space<vmem>>, vector<1x128xf32>
      tpu.vector_store %arg3[%swap3A_380, %swap3A_381], %convert_element_type3A_379 {strides = array<i32>} : memref<128x128xf32, #tpu.memory_space<vmem>>, vector<1x128xf32>,
      %get3A_383 = arith.index_cast %scan3A_364 : i32 to index
      %get3A_384 = memref.load %arg0[%get3A_383] : memref<4096xi32, #tpu.memory_space<smem>>
      %jit3A_385 = arith.constant 128 : i32
      %div3A_386 = arith.divsi %get3A_384, %jit3A_385 : i32
      %sign3A_387 = arith.constant 0 : i32
      %sign3A_388 = arith.cmpi sgt, %get3A_384, %sign3A_387 : i32
      %sign3A_389 = arith.extui %sign3A_388 : i1 to i32
      %sign3A_390 = arith.constant 0 : i32
      %sign3A_391 = arith.cmpi slt, %get3A_384, %sign3A_390 : i32
      %sign3A_392 = arith.extui %sign3A_391 : i1 to i32
      %sign3A_393 = arith.subi %sign3A_389, %sign3A_392 : i32
      %sign3A_394 = arith.constant 0 : i32
      %sign3A_395 = arith.cmpi sgt, %jit3A_385, %sign3A_394 : i32
      %sign3A_396 = arith.extui %sign3A_395 : i1 to i32
      %sign3A_397 = arith.constant 0 : i32
      %sign3A_398 = arith.cmpi slt, %jit3A_385, %sign3A_397 : i32
      %sign3A_399 = arith.extui %sign3A_398 : i1 to i32
      %sign3A_400 = arith.subi %sign3A_396, %sign3A_399 : i32
      %ne3A_401 = arith.cmpi ne, %sign3A_393, %sign3A_400 : i32
      %rem3A_402 = arith.remsi %get3A_384, %jit3A_385 : i32
      %ne3A_403 = arith.constant 0 : i32
      %ne3A_404 = arith.cmpi ne, %rem3A_402, %ne3A_403 : i32
      %and3A_405 = arith.andi %ne3A_401, %ne3A_404 : i1
      %sub3A_406 = arith.constant 1 : i32
      %sub3A_407 = arith.subi %div3A_386, %sub3A_406 : i32
      %select_n3A_408 = arith.select %and3A_405, %sub3A_407, %div3A_386 : i32
      %mul3A_409 = arith.constant 128 : i32
      %mul3A_410 = arith.muli %select_n3A_408, %mul3A_409 : i32
      %dma_start3A_411 = tpu.memref_slice %arg4[%rem3A_366] : memref<128x!tpu.dma_semaphore, #tpu.memory_space<semaphore_mem>> -> memref<1x!tpu.dma_semaphore, #tpu.memory_space<semaphore_mem>>
      %dma_start3A_412 = tpu.memref_squeeze %dma_start3A_411 : memref<1x!tpu.dma_semaphore, #tpu.memory_space<semaphore_mem>> -> memref<!tpu.dma_semaphore, #tpu.memory_space<semaphore_mem>>
      %dma_start3A_413 = tpu.memref_slice %arg2[%scan3A_364, %mul3A_410] : memref<4096x100000xf32, #tpu.memory_space<any>> -> memref<1x128xf32, #tpu.memory_space<any>>
      %dma_start3A_414 = arith.constant 0 : i32
      %dma_start3A_415 = tpu.memref_slice %arg3[%rem3A_366, %dma_start3A_414] : memref<128x128xf32, #tpu.memory_space<vmem>> -> memref<1x128xf32, #tpu.memory_space<vmem>>
      tpu.enqueue_dma source(%dma_start3A_415 : memref<1x128xf32, #tpu.memory_space<vmem>>) target(%dma_start3A_413 : memref<1x128xf32, #tpu.memory_space<any>>) target_semaphore(%dma_start3A_412 : memref<!tpu.dma_semaphore, #tpu.memory_space<semaphore_mem>>)
    }
    %scan3A_3 = arith.constant 4096 : i32
    %scan3A_4 = arith.constant 0 : i32
    %scan3A_5 = arith.constant 128 : i32
    %scan3A_6 = arith.addi %scan3A_4, %scan3A_5 : i32
    %scan3A_7 = arith.constant 8 : i32
    scf.for %scan3A_9 = %scan3A_4 to %scan3A_6 step %scan3A_7  : i32 {
      %add3A = arith.constant 3968 : i32
      %add3A_10 = arith.addi %add3A, %scan3A_9 : i32
      %rem3A = arith.constant 128 : i32
      %rem3A_11 = arith.remsi %add3A_10, %rem3A : i32
      %dma_wait3A = tpu.memref_slice %arg4[%rem3A_11] : memref<128x!tpu.dma_semaphore, #tpu.memory_space<semaphore_mem>> -> memref<1x!tpu.dma_semaphore, #tpu.memory_space<semaphore_mem>>
      %dma_wait3A_12 = tpu.memref_squeeze %dma_wait3A : memref<1x!tpu.dma_semaphore, #tpu.memory_space<semaphore_mem>> -> memref<!tpu.dma_semaphore, #tpu.memory_space<semaphore_mem>>
      %dma_wait3A_13 = arith.constant 0 : i32
      %dma_wait3A_14 = arith.constant 0 : i32
      %dma_wait3A_15 = tpu.memref_slice %arg2[%dma_wait3A_13, %dma_wait3A_14] : memref<4096x100000xf32, #tpu.memory_space<any>> -> memref<1x128xf32, #tpu.memory_space<any>>
      %dma_wait3A_16 = arith.constant 0 : i32
      %dma_wait3A_17 = tpu.memref_slice %arg3[%rem3A_11, %dma_wait3A_16] : memref<128x128xf32, #tpu.memory_space<vmem>> -> memref<1x128xf32, #tpu.memory_space<vmem>>
      tpu.wait_dma2 semaphore(%dma_wait3A_12 : memref<!tpu.dma_semaphore, #tpu.memory_space<semaphore_mem>>) src(%dma_wait3A_17 : memref<1x128xf32, #tpu.memory_space<vmem>>) dst(%dma_wait3A_15 : memref<1x128xf32, #tpu.memory_space<any>>)
      %scan3A_18 = arith.constant 1 : i32
      %scan3A_19 = arith.addi %scan3A_9, %scan3A_18 : i32
      %add3A_20 = arith.constant 3968 : i32
      %add3A_21 = arith.addi %add3A_20, %scan3A_19 : i32
      %rem3A_22 = arith.constant 128 : i32
      %rem3A_23 = arith.remsi %add3A_21, %rem3A_22 : i32
      %dma_wait3A_24 = tpu.memref_slice %arg4[%rem3A_23] : memref<128x!tpu.dma_semaphore, #tpu.memory_space<semaphore_mem>> -> memref<1x!tpu.dma_semaphore, #tpu.memory_space<semaphore_mem>>
      %dma_wait3A_25 = tpu.memref_squeeze %dma_wait3A_24 : memref<1x!tpu.dma_semaphore, #tpu.memory_space<semaphore_mem>> -> memref<!tpu.dma_semaphore, #tpu.memory_space<semaphore_mem>>
      %dma_wait3A_26 = arith.constant 0 : i32
      %dma_wait3A_27 = arith.constant 0 : i32
      %dma_wait3A_28 = tpu.memref_slice %arg2[%dma_wait3A_26, %dma_wait3A_27] : memref<4096x100000xf32, #tpu.memory_space<any>> -> memref<1x128xf32, #tpu.memory_space<any>>
      %dma_wait3A_29 = arith.constant 0 : i32
      %dma_wait3A_30 = tpu.memref_slice %arg3[%rem3A_23, %dma_wait3A_29] : memref<128x128xf32, #tpu.memory_space<vmem>> -> memref<1x128xf32, #tpu.memory_space<vmem>>
      tpu.wait_dma2 semaphore(%dma_wait3A_25 : memref<!tpu.dma_semaphore, #tpu.memory_space<semaphore_mem>>) src(%dma_wait3A_30 : memref<1x128xf32, #tpu.memory_space<vmem>>) dst(%dma_wait3A_28 : memref<1x128xf32, #tpu.memory_space<any>>)
      %scan3A_31 = arith.constant 2 : i32
      %scan3A_32 = arith.addi %scan3A_9, %scan3A_31 : i32
      %add3A_33 = arith.constant 3968 : i32
      %add3A_34 = arith.addi %add3A_33, %scan3A_32 : i32
      %rem3A_35 = arith.constant 128 : i32
      %rem3A_36 = arith.remsi %add3A_34, %rem3A_35 : i32
      %dma_wait3A_37 = tpu.memref_slice %arg4[%rem3A_36] : memref<128x!tpu.dma_semaphore, #tpu.memory_space<semaphore_mem>> -> memref<1x!tpu.dma_semaphore, #tpu.memory_space<semaphore_mem>>
      %dma_wait3A_38 = tpu.memref_squeeze %dma_wait3A_37 : memref<1x!tpu.dma_semaphore, #tpu.memory_space<semaphore_mem>> -> memref<!tpu.dma_semaphore, #tpu.memory_space<semaphore_mem>>
      %dma_wait3A_39 = arith.constant 0 : i32
      %dma_wait3A_40 = arith.constant 0 : i32
      %dma_wait3A_41 = tpu.memref_slice %arg2[%dma_wait3A_39, %dma_wait3A_40] : memref<4096x100000xf32, #tpu.memory_space<any>> -> memref<1x128xf32, #tpu.memory_space<any>>
      %dma_wait3A_42 = arith.constant 0 : i32
      %dma_wait3A_43 = tpu.memref_slice %arg3[%rem3A_36, %dma_wait3A_42] : memref<128x128xf32, #tpu.memory_space<vmem>> -> memref<1x128xf32, #tpu.memory_space<vmem>>
      tpu.wait_dma2 semaphore(%dma_wait3A_38 : memref<!tpu.dma_semaphore, #tpu.memory_space<semaphore_mem>>) src(%dma_wait3A_43 : memref<1x128xf32, #tpu.memory_space<vmem>>) dst(%dma_wait3A_41 : memref<1x128xf32, #tpu.memory_space<any>>)
      %scan3A_44 = arith.constant 3 : i32
      %scan3A_45 = arith.addi %scan3A_9, %scan3A_44 : i32
      %add3A_46 = arith.constant 3968 : i32
      %add3A_47 = arith.addi %add3A_46, %scan3A_45 : i32
      %rem3A_48 = arith.constant 128 : i32
      %rem3A_49 = arith.remsi %add3A_47, %rem3A_48 : i32
      %dma_wait3A_50 = tpu.memref_slice %arg4[%rem3A_49] : memref<128x!tpu.dma_semaphore, #tpu.memory_space<semaphore_mem>> -> memref<1x!tpu.dma_semaphore, #tpu.memory_space<semaphore_mem>>
      %dma_wait3A_51 = tpu.memref_squeeze %dma_wait3A_50 : memref<1x!tpu.dma_semaphore, #tpu.memory_space<semaphore_mem>> -> memref<!tpu.dma_semaphore, #tpu.memory_space<semaphore_mem>>
      %dma_wait3A_52 = arith.constant 0 : i32
      %dma_wait3A_53 = arith.constant 0 : i32
      %dma_wait3A_54 = tpu.memref_slice %arg2[%dma_wait3A_52, %dma_wait3A_53] : memref<4096x100000xf32, #tpu.memory_space<any>> -> memref<1x128xf32, #tpu.memory_space<any>>
      %dma_wait3A_55 = arith.constant 0 : i32
      %dma_wait3A_56 = tpu.memref_slice %arg3[%rem3A_49, %dma_wait3A_55] : memref<128x128xf32, #tpu.memory_space<vmem>> -> memref<1x128xf32, #tpu.memory_space<vmem>>
      tpu.wait_dma2 semaphore(%dma_wait3A_51 : memref<!tpu.dma_semaphore, #tpu.memory_space<semaphore_mem>>) src(%dma_wait3A_56 : memref<1x128xf32, #tpu.memory_space<vmem>>) dst(%dma_wait3A_54 : memref<1x128xf32, #tpu.memory_space<any>>)
      %scan3A_57 = arith.constant 4 : i32
      %scan3A_58 = arith.addi %scan3A_9, %scan3A_57 : i32
      %add3A_59 = arith.constant 3968 : i32
      %add3A_60 = arith.addi %add3A_59, %scan3A_58 : i32
      %rem3A_61 = arith.constant 128 : i32
      %rem3A_62 = arith.remsi %add3A_60, %rem3A_61 : i32
      %dma_wait3A_63 = tpu.memref_slice %arg4[%rem3A_62] : memref<128x!tpu.dma_semaphore, #tpu.memory_space<semaphore_mem>> -> memref<1x!tpu.dma_semaphore, #tpu.memory_space<semaphore_mem>>
      %dma_wait3A_64 = tpu.memref_squeeze %dma_wait3A_63 : memref<1x!tpu.dma_semaphore, #tpu.memory_space<semaphore_mem>> -> memref<!tpu.dma_semaphore, #tpu.memory_space<semaphore_mem>>
      %dma_wait3A_65 = arith.constant 0 : i32
      %dma_wait3A_66 = arith.constant 0 : i32
      %dma_wait3A_67 = tpu.memref_slice %arg2[%dma_wait3A_65, %dma_wait3A_66] : memref<4096x100000xf32, #tpu.memory_space<any>> -> memref<1x128xf32, #tpu.memory_space<any>>
      %dma_wait3A_68 = arith.constant 0 : i32
      %dma_wait3A_69 = tpu.memref_slice %arg3[%rem3A_62, %dma_wait3A_68] : memref<128x128xf32, #tpu.memory_space<vmem>> -> memref<1x128xf32, #tpu.memory_space<vmem>>
      tpu.wait_dma2 semaphore(%dma_wait3A_64 : memref<!tpu.dma_semaphore, #tpu.memory_space<semaphore_mem>>) src(%dma_wait3A_69 : memref<1x128xf32, #tpu.memory_space<vmem>>) dst(%dma_wait3A_67 : memref<1x128xf32, #tpu.memory_space<any>>)
      %scan3A_70 = arith.constant 5 : i32
      %scan3A_71 = arith.addi %scan3A_9, %scan3A_70 : i32
      %add3A_72 = arith.constant 3968 : i32
      %add3A_73 = arith.addi %add3A_72, %scan3A_71 : i32
      %rem3A_74 = arith.constant 128 : i32
      %rem3A_75 = arith.remsi %add3A_73, %rem3A_74 : i32
      %dma_wait3A_76 = tpu.memref_slice %arg4[%rem3A_75] : memref<128x!tpu.dma_semaphore, #tpu.memory_space<semaphore_mem>> -> memref<1x!tpu.dma_semaphore, #tpu.memory_space<semaphore_mem>>
      %dma_wait3A_77 = tpu.memref_squeeze %dma_wait3A_76 : memref<1x!tpu.dma_semaphore, #tpu.memory_space<semaphore_mem>> -> memref<!tpu.dma_semaphore, #tpu.memory_space<semaphore_mem>>
      %dma_wait3A_78 = arith.constant 0 : i32
      %dma_wait3A_79 = arith.constant 0 : i32
      %dma_wait3A_80 = tpu.memref_slice %arg2[%dma_wait3A_78, %dma_wait3A_79] : memref<4096x100000xf32, #tpu.memory_space<any>> -> memref<1x128xf32, #tpu.memory_space<any>>
      %dma_wait3A_81 = arith.constant 0 : i32
      %dma_wait3A_82 = tpu.memref_slice %arg3[%rem3A_75, %dma_wait3A_81] : memref<128x128xf32, #tpu.memory_space<vmem>> -> memref<1x128xf32, #tpu.memory_space<vmem>>
      tpu.wait_dma2 semaphore(%dma_wait3A_77 : memref<!tpu.dma_semaphore, #tpu.memory_space<semaphore_mem>>) src(%dma_wait3A_82 : memref<1x128xf32, #tpu.memory_space<vmem>>) dst(%dma_wait3A_80 : memref<1x128xf32, #tpu.memory_space<any>>)
      %scan3A_83 = arith.constant 6 : i32
      %scan3A_84 = arith.addi %scan3A_9, %scan3A_83 : i32
      %add3A_85 = arith.constant 3968 : i32
      %add3A_86 = arith.addi %add3A_85, %scan3A_84 : i32
      %rem3A_87 = arith.constant 128 : i32
      %rem3A_88 = arith.remsi %add3A_86, %rem3A_87 : i32
      %dma_wait3A_89 = tpu.memref_slice %arg4[%rem3A_88] : memref<128x!tpu.dma_semaphore, #tpu.memory_space<semaphore_mem>> -> memref<1x!tpu.dma_semaphore, #tpu.memory_space<semaphore_mem>>
      %dma_wait3A_90 = tpu.memref_squeeze %dma_wait3A_89 : memref<1x!tpu.dma_semaphore, #tpu.memory_space<semaphore_mem>> -> memref<!tpu.dma_semaphore, #tpu.memory_space<semaphore_mem>>
      %dma_wait3A_91 = arith.constant 0 : i32
      %dma_wait3A_92 = arith.constant 0 : i32
      %dma_wait3A_93 = tpu.memref_slice %arg2[%dma_wait3A_91, %dma_wait3A_92] : memref<4096x100000xf32, #tpu.memory_space<any>> -> memref<1x128xf32, #tpu.memory_space<any>>
      %dma_wait3A_94 = arith.constant 0 : i32
      %dma_wait3A_95 = tpu.memref_slice %arg3[%rem3A_88, %dma_wait3A_94] : memref<128x128xf32, #tpu.memory_space<vmem>> -> memref<1x128xf32, #tpu.memory_space<vmem>>
      tpu.wait_dma2 semaphore(%dma_wait3A_90 : memref<!tpu.dma_semaphore, #tpu.memory_space<semaphore_mem>>) src(%dma_wait3A_95 : memref<1x128xf32, #tpu.memory_space<vmem>>) dst(%dma_wait3A_93 : memref<1x128xf32, #tpu.memory_space<any>>)
      %scan3A_96 = arith.constant 7 : i32
      %scan3A_97 = arith.addi %scan3A_9, %scan3A_96 : i32
      %add3A_98 = arith.constant 3968 : i32
      %add3A_99 = arith.addi %add3A_98, %scan3A_97 : i32
      %rem3A_100 = arith.constant 128 : i32
      %rem3A_101 = arith.remsi %add3A_99, %rem3A_100 : i32
      %dma_wait3A_102 = tpu.memref_slice %arg4[%rem3A_101] : memref<128x!tpu.dma_semaphore, #tpu.memory_space<semaphore_mem>> -> memref<1x!tpu.dma_semaphore, #tpu.memory_space<semaphore_mem>>
      %dma_wait3A_103 = tpu.memref_squeeze %dma_wait3A_102 : memref<1x!tpu.dma_semaphore, #tpu.memory_space<semaphore_mem>> -> memref<!tpu.dma_semaphore, #tpu.memory_space<semaphore_mem>>
      %dma_wait3A_104 = arith.constant 0 : i32
      %dma_wait3A_105 = arith.constant 0 : i32
      %dma_wait3A_106 = tpu.memref_slice %arg2[%dma_wait3A_104, %dma_wait3A_105] : memref<4096x100000xf32, #tpu.memory_space<any>> -> memref<1x128xf32, #tpu.memory_space<any>>
      %dma_wait3A_107 = arith.constant 0 : i32
      %dma_wait3A_108 = tpu.memref_slice %arg3[%rem3A_101, %dma_wait3A_107] : memref<128x128xf32, #tpu.memory_space<vmem>> -> memref<1x128xf32, #tpu.memory_space<vmem>>
      tpu.wait_dma2 semaphore(%dma_wait3A_103 : memref<!tpu.dma_semaphore, #tpu.memory_space<semaphore_mem>>) src(%dma_wait3A_108 : memref<1x128xf32, #tpu.memory_space<vmem>>) dst(%dma_wait3A_106 : memref<1x128xf32, #tpu.memory_space<any>>)
    }
    %scan3A_8 = arith.constant 128 : i32
    return
  }
}

</mosaic_0001>

<sc_bundles>
// kernel: kernel.4.cloned.1.call-start
scs
__scs_entry_jumppad:
0x0: {  	(pc) =	sbr.rel $0x88, $3  }
0x1: {  	(tag) =	ssettag $0x0;
	lr =	simm.s32 $0x1  }
0x2: {  	[smem:$0x3FA0] =	sst lr;
	_ =	strace $0xD0000000  }
0x3: {  	_ = 	snop  }
0x4: {  	_ = 	snop  }
0x5: {  	_ = 	snop  }
0x6: {  	_ = 	snop  }
0x7: {  	_ = 	snop  }
__scs_overlays_trampoline_lowered:
0x8: {  	[smem:$0x3FAF] =	sst s0  }
0x9: {  	[smem:$0x3FB0] =	sst s1  }
0xa: {  	[smem:$0x3FB1] =	sst s2  }
0xb: {  	[smem:$0x3FB2] =	sst s3  }
0xc: {  	[smem:$0x3FB3] =	sst s4  }
0xd: {  	[smem:$0x3FB4] =	sst s5  }
0xe: {  	[smem:$0x3FB5] =	sst s6  }
0xf: {  	[smem:$0x3FB6] =	sst s7  }
0x10: {  	[smem:$0x3FB7] =	sst s8  }
0x11: {  	[smem:$0x3FB8] =	sst s9;
	s0 =	simm.s32 @!p0 $0x0  }
0x12: {  	s1 =	sld [smem:$0x3F9E];
	s0 =	simm.s32 @p0 $0x1  }
0x13: {  	[smem:$0x3FB9] =	sst s0;
	s0 =	simm.s32 @!p1 $0x0  }
0x14: {  	s2 =	sld [smem:$0x3F9D];
	s0 =	simm.s32 @p1 $0x1  }
0x15: {  	[smem:$0x3FBA] =	sst s0;
	s0 =	simm.s32 @!p2 $0x0  }
0x16: {  	s3 =	sld [smem:$0x3FDB];
	s0 =	simm.s32 @p2 $0x1  }
0x17: {  	s4 =	simm.s32 $0x1BF5;
	[smem:$0x3FBC] =	sst s0  }
0x18: {  	s0 =	sld [smem:$0x3F9F];
	_ =	swait.ge [sflag:s4], $0x0  }
0x19: {  	s7 =	sld [smem:$0x3FA0]  }
0x1a: {  	s8 =	sadd.s32 $0xFFFFE003, lr  }
0x1b: {  	s9 =	sadd.s32 $0xFFFFFEF7, lr;
	s5 =	simm.s32 $0xFFFFFFFF;
	p2 =	slt.u32 s8, $0xFFFFF086  }
0x1c: {  	p1 =	slt.u32 s9, $0xF7A;
	s5 =	simm.s32 @!p2 $0x0  }
0x1d: {  	s5 =	simm.s32 @p1 $0x1;
	p0 =	seq.s32 s7, s2  }
0x1e: {  	s7 =	smul.u32 @!p0 $0xF7A, s2;
	p2 =	seq.s32 @!p0 s5, $0x0  }
0x1f: {  	s9 =	smul.u32 $0xF7A, s1;
	s8 =	simm.s32 @!p0 $0x1BF5;
	p2 =	por !p2, p0  }
0x20: {  	[sflag:s8] =	ssyncset.s32 @!p0 $0xFFFFF086;
	s6 =	sadd.s32 @!p0 s3, s7;
	s7 =	simm.s32 @!p0 $0x108  }
0x21: {  	s3 =	sadd.s32 s3, s9;
	s6 =	sadd.s32 @!p0 $0x88, s6;
	s7 =	simm.s32 @p2 $0x1082  }
0x22: {  	[simem:s7], [sflag:s8] =	dma.local @!p0 [hbm:s6], $0xF7A  }
0x23: {  	s9 =	sor.u32 $0xD0000000, s2;
	s6 =	simm.s32 $0x108;
	_ =	swait.ge @!p0 [sflag:s8], $0x0  }
0x24: {  	s3 =	sadd.s32 $0x88, s3;
	s6 =	simm.s32 @!p1 $0x1082;
	[sflag:s4] =	ssyncset.s32 $0xFFFFF086  }
0x25: {  	[simem:s6], [sflag:s4] =	dma.local [hbm:s3], $0xF7A  }
0x26: {  	[smem:$0x3FA0] =	sst s1;
	(tag) =	ssettag s2;
	_ =	strace s9  }
0x27: {  	s1 =	sld [smem:$0x3FB0]  }
0x28: {  	s2 =	sld [smem:$0x3FB1]  }
0x29: {  	s4 =	sld [smem:$0x3FB3]  }
0x2a: {  	p0 =	seq.s32 s5, $0x0;
	s5 =	sld [smem:$0x3FB4]  }
0x2b: {  	s6 =	sld [smem:$0x3FB5]  }
0x2c: {  	s7 =	sld [smem:$0x3FB6]  }
0x2d: {  	s3 =	simm.s32 $0x108;
	s8 =	sld [smem:$0x3FB7]  }
0x2e: {  	s3 =	simm.s32 @!p0 $0x1082;
	s9 =	sld [smem:$0x3FB8]  }
0x2f: {  	lr =	sadd.s32 s0, s3;
	s0 =	sld [smem:$0x3FAF]  }
0x30: {  	s3 =	sld [smem:$0x3FB2]  }
0x31: {  	[smem:$0x3FBB] =	sst s10  }
0x32: {  	s10 =	sld [smem:$0x3FB9];
	_ =	sdelay $0x3  }
0x33: {  	p0 =	seq.s32 s10, $0x1;
	s10 =	sld [smem:$0x3FBB];
	_ =	sdelay $0x3  }
0x34: {  	[smem:$0x3FBB] =	sst s10  }
0x35: {  	s10 =	sld [smem:$0x3FBA];
	_ =	sdelay $0x3  }
0x36: {  	p1 =	seq.s32 s10, $0x1;
	s10 =	sld [smem:$0x3FBB];
	_ =	sdelay $0x3  }
0x37: {  	[smem:$0x3FBB] =	sst s10  }
0x38: {  	s10 =	sld [smem:$0x3FBC]  }
0x39: {  	_ = 	snop;
	(pc) =	sbr.ind lr, $3  }
0x3a: {  	_ = 	snop  }
0x3b: {  	_ = 	snop  }
0x3c: {  	p2 =	seq.s32 s10, $0x1;
	s10 =	sld [smem:$0x3FBB]  }
0x3d: {  	_ =	shalt  }
0x3e: {  	_ =	shalt  }
0x3f: {  	_ =	shalt  }
0x40: {  	_ =	shalt  }
0x41: {  	_ =	shalt  }
0x42: {  	_ =	shalt  }
0x43: {  	_ =	shalt  }
0x44: {  	_ =	shalt  }
0x45: {  	_ =	shalt  }
0x46: {  	_ =	shalt  }
0x47: {  	_ =	shalt  }
0x48: {  	_ =	shalt  }
0x49: {  	_ =	shalt  }
0x4a: {  	_ =	shalt  }
0x4b: {  	_ =	shalt  }
0x4c: {  	_ =	shalt  }
0x4d: {  	_ =	shalt  }
0x4e: {  	_ =	shalt  }
0x4f: {  	_ =	shalt  }
0x50: {  	_ =	shalt  }
0x51: {  	_ =	shalt  }
0x52: {  	_ =	shalt  }
0x53: {  	_ =	shalt  }
0x54: {  	_ =	shalt  }
0x55: {  	_ =	shalt  }
0x56: {  	_ =	shalt  }
0x57: {  	_ =	shalt  }
0x58: {  	_ =	shalt  }
0x59: {  	_ =	shalt  }
0x5a: {  	_ =	shalt  }
0x5b: {  	_ =	shalt  }
0x5c: {  	_ =	shalt  }
0x5d: {  	_ =	shalt  }
0x5e: {  	_ =	shalt  }
0x5f: {  	_ =	shalt  }
0x60: {  	_ =	shalt  }
0x61: {  	_ =	shalt  }
0x62: {  	_ =	shalt  }
0x63: {  	_ =	shalt  }
0x64: {  	_ =	shalt  }
0x65: {  	_ =	shalt  }
0x66: {  	_ =	shalt  }
0x67: {  	_ =	shalt  }
0x68: {  	_ =	shalt  }
0x69: {  	_ =	shalt  }
0x6a: {  	_ =	shalt  }
0x6b: {  	_ =	shalt  }
0x6c: {  	_ =	shalt  }
0x6d: {  	_ =	shalt  }
0x6e: {  	_ =	shalt  }
0x6f: {  	_ =	shalt  }
0x70: {  	_ =	shalt  }
0x71: {  	_ =	shalt  }
0x72: {  	_ =	shalt  }
0x73: {  	_ =	shalt  }
0x74: {  	_ =	shalt  }
0x75: {  	_ =	shalt  }
0x76: {  	_ =	shalt  }
0x77: {  	_ =	shalt  }
0x78: {  	_ =	shalt  }
0x79: {  	_ =	shalt  }
0x7a: {  	_ =	shalt  }
0x7b: {  	_ =	shalt  }
0x7c: {  	_ =	shalt  }
0x7d: {  	_ =	shalt  }
0x7e: {  	_ =	shalt  }
0x7f: {  	_ =	shalt  }
0x80: {  	_ =	shalt  }
0x81: {  	_ =	shalt  }
0x82: {  	_ =	shalt  }
0x83: {  	_ =	shalt  }
0x84: {  	_ =	shalt  }
0x85: {  	_ =	shalt  }
0x86: {  	_ =	shalt  }
0x87: {  	_ =	shalt  }
.Lfunc_end0:
.L_simem_size_0:
called_computation_lowered:
.L_overlay_start_0:
0x88: {  	s2 =	sld [smem:$0x3FD9]  }
0x89: {  	s3 =	sld [smem:$0x3FFE];
	_ =	sdelay $0x1  }
0x8a: {  	s1 =	srdreg.scid  }
0x8b: {  	s0 =	sand.u32 $0x1, s1  }
0x8c: {  	s16 =	sshll.u32 s0, $0xA;
	s2 =	sadd.s32 s3, s2  }
0x8d: {  	s2 =	sadd.s32 s2, s16  }
0x8e: {  	[smem:$0x3FC7] =	sst s2  }
0x8f: {  	_ = 	snop  }
0x90: {  	(tm) =	ssettm $0x1  }
0x91: {  	s17 =	sld [smem:$0x3FFB];
	_ =	sdelay $0x3  }
0x92: {  	_ =	strace s17  }
0x93: {  	s2 =	sld [smem:$0x3FFC];
	_ =	sdelay $0x3  }
0x94: {  	_ =	strace s2  }
0x95: {  	s2 =	sld [smem:$0x3FFD];
	_ =	sdelay $0x3  }
0x96: {  	_ =	strace s2  }
0x97: {  	_ =	strace $0x8FFFFFFF  }
0x98: {  	s18 =	sld [smem:$0x3FDB];
	_ =	sdelay $0x1  }
0x99: {  	s19 =	simm.s32 $_scs_section_size  }
0x9a: {  	s4 =	simm.s32 $_size__tile_overlayer_lowered;
	s5 =	simm.s32 $_tile_overlayer_lowered  }
0x9b: {  	s22 =	simm.s32 $0x1BFF;
	s21 =	sshll.u32 s5, $0x1;
	s2 =	sadd.s32 s19, s18  }
0x9c: {  	s6 =	simm.s32 $0x0;
	s20 =	sshll.u32 s4, $0x1;
	s4 =	sadd.s32 s21, s2  }
0x9d: {  	[timem:s6], [sflag:s22] =	dma.local [hbm:s4], s20  }
0x9e: {  	_ =	swait.ge [sflag:s22], s20  }
0x9f: {  	s3 =	ssub.s32 $0x0, s20;
	[sflag:s22] =	ssyncset.done $0x0  }
0xa0: {  	[sflag:s22] =	ssyncadd.s32 s3;
	_ =	sdelay $0x1  }
0xa1: {  	s23 =	simm.s32 $0x1B8B  }
0xa2: {  	_ =	swait.ge [sflag:s23], $0x1  }
0xa3: {  	[sflag:s23] =	ssyncset.done $0x0  }
0xa4: {  	s25 =	simm.s32 $0x1B8E;
	s24 =	sld [smem:$0x3FFE];
	[sflag:s23] =	ssyncadd.s32 $0xFFFFFFFF  }
0xa5: {  	s26 =	simm.s32 $execute0_lowered;
	[smem:$0x3FD2] =	sst s25  }
0xa6: {  	s4 =	sshll.u32 s26, $0x1;
	_ =	strace $0x80000046;
	[dreg:$0x1] =	wrdreg $0xFFFFFFFF  }
0xa7: {  	s28 =	simm.s32 $_size_execute0_lowered;
	s2 =	sadd.s32 s2, s4;
	[dreg:$0x0] =	wrdreg $0x0  }
0xa8: {  	s4 =	sshll.u32 s28, $0x1;
	[dreg:$0x2] =	wrdreg s2  }
0xa9: {  	[dreg:$0x3] =	wrdreg s4  }
0xaa: {  	[dreg:$0x4] =	wrdreg $0xC0  }
0xab: {  	_ =	task [dreg:s6], $0x5FFFF  }
0xac: {  	[dreg:$0x1] =	wrdreg $0xFFFFFFFF  }
0xad: {  	[dreg:$0x0] =	wrdreg $0x60  }
0xae: {  	[dreg:$0x2] =	wrdreg s24  }
0xaf: {  	[dreg:$0x3] =	wrdreg $0x9  }
0xb0: {  	_ =	task.clear_ibuf [dreg:s6], $0x4FFFF;
	_ =	strace $0x90000046  }
0xb1: {  	s29 =	simm.s32 $0x9;
	_ =	strace $0x80000048  }
0xb2: {  	_ =	swait.ge [sflag:s29], $0x1  }
0xb3: {  	[sflag:s29] =	ssyncadd.s32 $0xFFFFFFFF  }
0xb4: {  	_ =	strace $0x90000048  }
0xb5: {  	_ =	sfence  }
0xb6: {  	s30 =	sld [smem:$0x0];
	_ =	sdelay $0x2  }
0xb7: {  	s31 =	sshll.u32 s1, $0xD;
	s1 =	sshrl.u32 s1, $0x2  }
0xb8: {  	s3 =	sand.u32 $0x4000, s31;
	s1 =	sadd.s32 s1, s30  }
0xb9: {  	s0 =	sor.u32 s3, s0;
	s1 =	sshll.u32 s1, $0x11  }
0xba: {  	s0 =	sor.u32 s1, s0  }
0xbb: {  	s0 =	sadd.s32 $0x8F2B, s0  }
0xbc: {  	[sflag:s0] =	ssyncadd.remote.s32 $0x1  }
0xbd: {  	_ =	sfence.sel $0xFFFF  }
0xbe: {  	[dreg:$0x0] =	wrdreg $0xFFFFFFFF;
	(pc) =	sbr.abs _section_cstart, $3  }
0xbf: {  	[dreg:$0x1] =	wrdreg $0xFFFFFFFF  }
0xc0: {  	_ =	task.clear_ibuf [dreg:s6], $0x2FFFF;
	_ =	strace $0x9FFFFFFF  }
0xc1: {  	(tm) =	ssettm $0x7FFFFFFF  }
tec
execute0_lowered:
.L_overlay_start_1:
0x0: {  	(tag) =	ssettag $0x1  }
0x1: {  	s3 =	rddreg [dreg:$0x0];
	s2 =	srdreg.scid  }
0x2: {  	s0 =	rddreg [dreg:$0x1];
	s1 =	simm.s32 $0x0;
	s8 =	simm.s32 $0x0  }
0x3: {  	s11 =	simm.s32 $0x80;
	s4 =	sand.u32 $0x1, s2;
	[smem:$0x7FF] =	sst s1  }
0x4: {  	s2 =	stileid.u32;
	s3 =	sadd.s32 $0x600, s3;
	s5 =	ssub.s32 $0x2, s4  }
0x5: {  	_ =	strace $0x80000047;
	s31 =	sshll.u32 s2, $0x8;
	s6 =	sshrl.u32 s5, $0x1  }
0x6: {  	s7 =	sshll.u32 s4, $0x7;
	s5 =	ssub.s32 s5, s6;
	s6 =	simm.s32 $0x400  }
0x7: {  	v0 =	vimm.f32 $0.0e+00;
	s4 =	smax.u32 s5, $0x1;
	s5 =	sor.u32 s7, s31;
	s7 =	simm.s32 $0x1  }
.LBB2_1:
0x8: {  	s9 =	simm.s32 $0x0  }
.LBB2_2:
0x9: {  	p0 =	sne.s32 s9, $0x61A40  }
.Ltmp0:
0xa: {  	_ = 	snop;
	(pc) =	sbr.rel @p0 .LBB2_2-.Ltmp0, $3  }
0xb: {  	_ =	sdelay $0x1  }
0xc: {  	s10 =	sshra.s32 s9, $0x2  }
0xd: {  	s9 =	sadd.s32 $0x40, s9;
	[tilespmem:s10+$0x0] =	vst v0  }
0xe: {  	s9 =	sshrl.u32 s5, $0x3  }
0xf: {  	s10 =	simm.s32 $0x0;
	s9 =	smul.u32 $0xC3800, s9  }
0x10: {  	s10 =	sand.u32 $0x380, s10  }
0x11: {  	s10 =	sor.u32 s10, s9  }
0x12: {  	s9 =	simm.s32 $0x80;
	s12 =	sshrl.u32 s10, $0x3;
	s10 =	sadd.s32 $0x1, s5  }
.LBB2_4:
0x13: {  	s13 =	sshrl.u32 s10, $0x3  }
0x14: {  	s12 =	sadd.s32 s3, s12;
	s14 =	smov.u32 s9;
	p0 =	sne.s32 s9, $0x3F80  }
0x15: {  	[hbm4b:s12+s11] =	stream.strided.scatter [tilespmem:s1], [sflag:$0x1], $0x18700, s6, s11, $0x38;
	[tilespmem:$0x18700] =	vst v63  }
.Ltmp1:
0x16: {  	_ = 	snop;
	(pc) =	sbr.rel @p0 .LBB2_4-.Ltmp1, $4  }
0x17: {  	s9 =	sadd.s32 $0x80, s9;
	s12 =	smul.u32 $0xC3800, s13  }
0x18: {  	s13 =	sand.u32 $0x380, s14  }
0x19: {  	s12 =	sor.u32 s13, s12  }
0x1a: {  	s10 =	sadd.s32 $0x1, s10;
	s12 =	sshrl.u32 s12, $0x3  }
0x1b: {  	s9 =	sadd.s32 s3, s12  }
0x1c: {  	[hbm4b:s9+s11] =	stream.strided.scatter [tilespmem:s1], [sflag:$0x1], $0x18700, s6, s11, $0x38;
	[tilespmem:$0x18700] =	vst v63  }
0x1d: {  	_ =	swait.ge [sflag:s7], $0x18700  }
0x1e: {  	s9 =	simm.s32 $0x7F;
	[sflag:s7] =	ssyncset.done $0x0  }
.LBB2_6:
0x1f: {  	p0 =	sne.s32 s9, $0x1;
	s9 =	sadd.s32 $0xFFFFFFFF, s9;
	[sflag:s7] =	ssyncadd.s32 $0xFFFE7900  }
.Ltmp2:
0x20: {  	(pc) =	sbr.rel @p0 .LBB2_6-.Ltmp2, $3  }
0x21: {  	_ =	sdelay $0x1  }
0x22: {  	_ =	swait.ge [sflag:s7], $0x18700  }
0x23: {  	[sflag:s7] =	ssyncset.done $0x0  }
0x24: {  	s8 =	sadd.s32 $0x1, s8  }
0x25: {  	p0 =	sne.s32 s8, s4  }
.Ltmp3:
0x26: {  	_ = 	snop;
	(pc) =	sbr.rel @p0 .LBB2_1-.Ltmp3, $2  }
0x27: {  	_ =	sdelay $0x2  }
0x28: {  	[sflag:s7] =	ssyncadd.s32 $0xFFFE7900  }
0x29: {  	_ =	sfence.sel $0x180000  }
0x2a: {  	[bflag:$0x0] =	sbarrier.arrive $0xFFFF  }
0x2b: {  	p0 =	sne.s32 s2, $0x0;
	_ =	strace $0x90000047  }
0x2c: {  	s0 =	sadd.s32 @!p0 $0x100000, s0;
	[bflag:$0x2] =	sbarrier.arrive $0xFFFF  }
0x2d: {  	[sflag:s0] =	ssyncadd.tile.s32 @!p0 $0x1;
	_ =	shalt  }
.Lfunc_end2:
_tile_overlayer_lowered:
.L_overlay_start_2:
0x2e: {  	(tag) =	ssettag $0x2  }
0x2f: {  	s0 =	rddreg [dreg:$0x0];
	s2 =	stileid.u32  }
0x30: {  	s1 =	rddreg [dreg:$0x1];
	p0 =	sne.s32 s2, $0x0  }
0x31: {  	s3 =	rddreg [dreg:$0x2];
	[bflag:$0x3] =	sbarrier.arrive $0xFFFF;
	s2 =	simm.s32 @!p0 $0x1C02  }
0x32: {  	[timem:s3], [sflag:s2] =	dma.local @!p0 [hbm:s0], s1  }
0x33: {  	s0 =	simm.s32 @!p0 $0x2  }
0x34: {  	_ =	swait.ge @!p0 [sflag:s0], s1  }
0x35: {  	s1 =	ssub.s32 @!p0 $0x0, s1;
	[sflag:s0] =	ssyncset.done @!p0 $0x0  }
0x36: {  	[sflag:s0] =	ssyncadd.s32 @!p0 s1  }
0x37: {  	[bflag:$0x3] =	sbarrier.arrive $0xFFFF  }
0x38: {  	_ =	shalt  }

</sc_bundles>
